<compile_context>
chip_gen: v7x
topology: tpu7x:2x2x1
jax: 0.10.2.dev20260603
libtpu: 0.0.44.dev20260713+nightly
codegen_flags: <defaults>
</compile_context>

<pallas_src>
import math

import jax
import jax.numpy as jnp
from jax import lax
from jax.experimental import pallas as pl
from jax.experimental.pallas import tpu as pltpu
from jax.experimental.pallas import tpu_sc as plsc

_NC = 2
_NS = 16
_NW = _NC * _NS
_L = 16

_C = 8192
_MAGIC = float(2 ** 23)


def _body_fn(npts, nchunk, grid_shape, nwords):
    pts_per_worker = npts // _NW
    ncells = grid_shape[0] * grid_shape[1] * grid_shape[2]
    sj = grid_shape[2]
    si = grid_shape[1] * grid_shape[2]
    stage_w = nwords // _NS

    def body(xs_hbm, ys_hbm, zs_hbm, maskw_hbm, params_hbm, out_hbm,
             params_v, xs_v, ys_v, zs_v, idx_v, enc_v, words_v, outw_v,
             spmem, sem):
        sid = lax.axis_index("s")
        wid = sid * _NC + lax.axis_index("c")

        @pl.loop(0, stage_w // _C)
        def _stage(t):
            off = sid * stage_w + t * _C
            pltpu.sync_copy(maskw_hbm.at[pl.ds(off, _C)], words_v)
            pltpu.sync_copy(words_v, spmem.at[pl.ds(off, _C)])
        plsc.subcore_barrier()

        pltpu.sync_copy(params_hbm, params_v)
        sx = params_v[pl.ds(0 * _L, _L)]
        sy = params_v[pl.ds(1 * _L, _L)]
        sz = params_v[pl.ds(2 * _L, _L)]
        tx = params_v[pl.ds(3 * _L, _L)]
        ty = params_v[pl.ds(4 * _L, _L)]
        tz = params_v[pl.ds(5 * _L, _L)]

        @pl.loop(0, nchunk)
        def _chunk(n):
            pt0 = wid * pts_per_worker + n * _C
            pltpu.async_copy(xs_hbm.at[pl.ds(pt0, _C)], xs_v, sem)
            pltpu.async_copy(ys_hbm.at[pl.ds(pt0, _C)], ys_v, sem)
            pltpu.async_copy(zs_hbm.at[pl.ds(pt0, _C)], zs_v, sem)
            pltpu.make_async_copy(
                xs_hbm.at[pl.ds(pt0, _C)], xs_v, sem).wait()
            pltpu.make_async_copy(
                ys_hbm.at[pl.ds(pt0, _C)], ys_v, sem).wait()
            pltpu.make_async_copy(
                zs_hbm.at[pl.ds(pt0, _C)], zs_v, sem).wait()

            @pl.loop(0, _C // 128)
            def _pass1(b):
                for c in range(8):
                    pos = b * 128 + c * _L
                    x = xs_v[pl.ds(pos, _L)]
                    y = ys_v[pl.ds(pos, _L)]
                    z = zs_v[pl.ds(pos, _L)]
                    ri = (x * sx + tx + _MAGIC) - _MAGIC
                    rj = (y * sy + ty + _MAGIC) - _MAGIC
                    rk = (z * sz + tz + _MAGIC) - _MAGIC
                    ii = ri.astype(jnp.int32)
                    jj = rj.astype(jnp.int32)
                    kk = rk.astype(jnp.int32)
                    ok = ((ii >= 0) & (ii < grid_shape[0])
                          & (jj >= 0) & (jj < grid_shape[1])
                          & (kk >= 0) & (kk < grid_shape[2]))
                    lin = ii * si + jj * sj + kk
                    lin = jnp.clip(lin, 0, ncells - 1)
                    enc = (lin & 31) | (ok.astype(jnp.int32) << 5)
                    idx_v[b, pl.ds(c * _L, _L)] = lin >> 5
                    enc_v[pl.ds(pos, _L)] = enc

            @pl.loop(0, _C // 128, step=8)
            def _gather(j0):
                for t in range(8):
                    j = j0 + t
                    pltpu.async_copy(spmem.at[idx_v.at[j]],
                                     words_v.at[pl.ds(j * 128, 128)], sem)

            pltpu.make_async_copy(maskw_hbm.at[pl.ds(0, _C)],
                                  words_v, sem).wait()

            @pl.loop(0, _C // 128)
            def _pass2(b):
                for c in range(8):
                    pos = b * 128 + c * _L
                    w = words_v[pl.ds(pos, _L)]
                    e = enc_v[pl.ds(pos, _L)]
                    outw_v[pl.ds(pos, _L)] = (w >> (e & 31)) & (e >> 5) & 1

            pltpu.sync_copy(outw_v, out_hbm.at[pl.ds(pt0, _C)])

    return body


def kernel(xyz, mask, xyz_min, xyz_max):
    out_shape = xyz.shape[:-1]
    npts = math.prod(out_shape)
    xs = xyz[..., 0].reshape(-1)
    ys = xyz[..., 1].reshape(-1)
    zs = xyz[..., 2].reshape(-1)

    m = mask.reshape(-1, 32).astype(jnp.int32)
    maskw = (m << jnp.arange(32, dtype=jnp.int32)).sum(
        axis=1, dtype=jnp.int32)
    nwords = maskw.shape[0]

    grid_f = jnp.asarray(mask.shape, jnp.float32)
    scale = (grid_f - 1.0) / (xyz_max.astype(jnp.float32)
                              - xyz_min.astype(jnp.float32))
    shift = -xyz_min.astype(jnp.float32) * scale
    params = jnp.repeat(jnp.concatenate([scale, shift]), _L)
    nchunk = npts // (_NW * _C)

    outw = pl.kernel(
        _body_fn(npts, nchunk, mask.shape, nwords),
        out_type=jax.ShapeDtypeStruct((npts,), jnp.int32),
        mesh=plsc.VectorSubcoreMesh(
            core_axis_name="c", subcore_axis_name="s",
            num_cores=_NC, num_subcores=_NS),
        compiler_params=pltpu.CompilerParams(needs_layout_passes=False),
        scratch_types=[
            pltpu.VMEM((6 * _L,), jnp.float32),
            pltpu.VMEM((_C,), jnp.float32),
            pltpu.VMEM((_C,), jnp.float32),
            pltpu.VMEM((_C,), jnp.float32),
            pltpu.VMEM((_C // 128, 128), jnp.int32),
            pltpu.VMEM((_C,), jnp.int32),
            pltpu.VMEM((_C,), jnp.int32),
            pltpu.VMEM((_C,), jnp.int32),
            pltpu.VMEM_SHARED((nwords,), jnp.int32),
            pltpu.SemaphoreType.DMA,
        ],
    )(xs, ys, zs, maskw, params)

    return outw.reshape(out_shape) != 0

# --- scband reference (transcript-rebuilt; emitter-appended) ---
"""Pipeline reference for scband-mask-grid-23897198035510 (READ-ONLY COPY).

The authoritative reference and input builder live on the scoring server;
editing this copy changes nothing except your own understanding.
"""

import jax, jax.numpy as jnp
import numpy as np

GRID_SHAPE = (256, 256, 256)
N_RAYS = 8192
N_SAMPLES = 256


def setup_inputs(seed: int = 0) -> dict:
    key = jax.random.key(seed)
    k1, k2 = jax.random.split(key)
    # query points in [0, 1), inside the [xyz_min, xyz_max] box
    xyz = jax.random.uniform(k1, (N_RAYS, N_SAMPLES, 3), dtype=jnp.float32)
    # boolean occupancy mask grid (buffer built in __init__ from `mask`)
    mask = jax.random.bernoulli(k2, 0.5, GRID_SHAPE)
    xyz_min = jnp.zeros((3,), dtype=jnp.float32)
    xyz_max = jnp.ones((3,), dtype=jnp.float32)
    return {"xyz": xyz, "mask": mask, "xyz_min": xyz_min, "xyz_max": xyz_max}


def reference(xyz, mask, xyz_min, xyz_max):
    # Faithful translation of MaskGrid.forward + maskcache_lookup CUDA kernel:
    #   ijk = round(xyz * xyz2ijk_scale + xyz2ijk_shift)
    #   out = mask[i, j, k] if ijk in bounds else False
    out_shape = xyz.shape[:-1]
    pts = xyz.reshape(-1, 3)
    grid_shape_f = jnp.asarray(mask.shape, dtype=jnp.float32)
    xyz2ijk_scale = (grid_shape_f - 1.0) / (xyz_max - xyz_min)
    xyz2ijk_shift = -xyz_min * xyz2ijk_scale
    ijk = jnp.round(pts * xyz2ijk_scale + xyz2ijk_shift).astype(jnp.int32)
    lim = jnp.asarray(mask.shape, dtype=jnp.int32)
    in_bounds = jnp.all((ijk >= 0) & (ijk < lim), axis=-1)
    ijk_c = jnp.clip(ijk, 0, lim - 1)
    vals = mask[ijk_c[:, 0], ijk_c[:, 1], ijk_c[:, 2]]
    out = jnp.where(in_bounds, vals, False)
    return out.reshape(out_shape)

if __name__ == "__main__":
    import jax
    _d = setup_inputs()
    print(jax.jit(kernel)(*tuple(_d.values())))

</pallas_src>

<mosaic_0001>
#map = affine_map<(d0, d1) -> (0)>
module attributes {stable_mosaic.version = 14 : i64} {
  func.func @body(%arg0: i32, %arg1: i32, %arg2: memref<2097152xf32, #tpu.memory_space<hbm>>, %arg3: memref<2097152xf32, #tpu.memory_space<hbm>>, %arg4: memref<2097152xf32, #tpu.memory_space<hbm>>, %arg5: memref<524288xi32, #tpu.memory_space<hbm>>, %arg6: memref<96xf32, #tpu.memory_space<hbm>>, %arg7: memref<2097152xi32, #tpu.memory_space<hbm>>, %arg8: memref<96xf32, #tpu.memory_space<vmem>>, %arg9: memref<8192xf32, #tpu.memory_space<vmem>>, %arg10: memref<8192xf32, #tpu.memory_space<vmem>>, %arg11: memref<8192xf32, #tpu.memory_space<vmem>>, %arg12: memref<64x128xi32, #tpu.memory_space<vmem>>, %arg13: memref<8192xi32, #tpu.memory_space<vmem>>, %arg14: memref<8192xi32, #tpu.memory_space<vmem>>, %arg15: memref<8192xi32, #tpu.memory_space<vmem>>, %arg16: memref<524288xi32, #tpu.memory_space<vmem_shared>>, %arg17: memref<!tpu.dma_semaphore, #tpu.memory_space<semaphore_mem>>) attributes {dimension_semantics = [#tpu.dimension_semantics<core_parallel>, #tpu.dimension_semantics<subcore_parallel>], iteration_bounds = array<i64: 2, 16>, scalar_prefetch = 0 : i64, scratch_operands = 10 : i64, tpu.core_type = #tpu.core_type<sc_vector_subcore>, window_params = [{transform_indices = #map}, {transform_indices = #map}, {transform_indices = #map}, {transform_indices = #map}, {transform_indices = #map}, {transform_indices = #map}]} {
    %mul3A = arith.constant 2 : i32
    %mul3A_0 = arith.muli %arg1, %mul3A : i32
    %add3A = arith.addi %mul3A_0, %arg0 : i32
    %scan3A = arith.constant 0 : i32
    %scan3A_1 = arith.constant 4 : i32
    %scan3A_2 = arith.addi %scan3A, %scan3A_1 : i32
    %scan3A_3 = arith.constant 1 : i32
    scf.for %scan3A_21 = %scan3A to %scan3A_2 step %scan3A_3  : i32 {
      %mul3A_22 = arith.constant 1 : i32
      %mul3A_23 = arith.muli %scan3A_21, %mul3A_22 : i32
      %add3A_24 = arith.constant 0 : i32
      %add3A_25 = arith.addi %add3A_24, %mul3A_23 : i32
      %mul3A_26 = arith.constant 32768 : i32
      %mul3A_27 = arith.muli %arg1, %mul3A_26 : i32
      %mul3A_28 = arith.constant 8192 : i32
      %mul3A_29 = arith.muli %add3A_25, %mul3A_28 : i32
      %add3A_30 = arith.addi %mul3A_27, %mul3A_29 : i32
      "tpu.region"() ({
        %run_scoped3A = tpu.sem_alloc : memref<!tpu.dma_semaphore, #tpu.memory_space<semaphore_mem>>
        %dma_start3A = tpu.memref_slice %arg5[%add3A_30] : memref<524288xi32, #tpu.memory_space<hbm>> -> memref<8192xi32, #tpu.memory_space<hbm>>
        %dma_start3A_31 = tpu.memref_slice %arg5[%add3A_30] : memref<524288xi32, #tpu.memory_space<hbm>> -> memref<8192xi32, #tpu.memory_space<hbm>>
        tpu.enqueue_dma source(%dma_start3A_31 : memref<8192xi32, #tpu.memory_space<hbm>>) target(%arg14 : memref<8192xi32, #tpu.memory_space<vmem>>) target_semaphore(%run_scoped3A : memref<!tpu.dma_semaphore, #tpu.memory_space<semaphore_mem>>)
        %dma_wait3A = tpu.memref_slice %arg5[%add3A_30] : memref<524288xi32, #tpu.memory_space<hbm>> -> memref<8192xi32, #tpu.memory_space<hbm>>
        %dma_wait3A_32 = tpu.memref_slice %arg5[%add3A_30] : memref<524288xi32, #tpu.memory_space<hbm>> -> memref<8192xi32, #tpu.memory_space<hbm>>
        tpu.wait_dma2 semaphore(%run_scoped3A : memref<!tpu.dma_semaphore, #tpu.memory_space<semaphore_mem>>) src(%dma_wait3A_32 : memref<8192xi32, #tpu.memory_space<hbm>>) dst(%arg14 : memref<8192xi32, #tpu.memory_space<vmem>>)
        tpu.yield
      }) : () -> ()
      "tpu.region"() ({
        %run_scoped3A = tpu.sem_alloc : memref<!tpu.dma_semaphore, #tpu.memory_space<semaphore_mem>>
        %dma_start3A = tpu.memref_slice %arg16[%add3A_30] : memref<524288xi32, #tpu.memory_space<vmem_shared>> -> memref<8192xi32, #tpu.memory_space<vmem_shared>>
        %dma_start3A_31 = tpu.memref_slice %arg16[%add3A_30] : memref<524288xi32, #tpu.memory_space<vmem_shared>> -> memref<8192xi32, #tpu.memory_space<vmem_shared>>
        tpu.enqueue_dma source(%arg14 : memref<8192xi32, #tpu.memory_space<vmem>>) target(%dma_start3A_31 : memref<8192xi32, #tpu.memory_space<vmem_shared>>) target_semaphore(%run_scoped3A : memref<!tpu.dma_semaphore, #tpu.memory_space<semaphore_mem>>)
        %dma_wait3A = tpu.memref_slice %arg16[%add3A_30] : memref<524288xi32, #tpu.memory_space<vmem_shared>> -> memref<8192xi32, #tpu.memory_space<vmem_shared>>
        %dma_wait3A_32 = tpu.memref_slice %arg16[%add3A_30] : memref<524288xi32, #tpu.memory_space<vmem_shared>> -> memref<8192xi32, #tpu.memory_space<vmem_shared>>
        tpu.wait_dma2 semaphore(%run_scoped3A : memref<!tpu.dma_semaphore, #tpu.memory_space<semaphore_mem>>) src(%arg14 : memref<8192xi32, #tpu.memory_space<vmem>>) dst(%dma_wait3A_32 : memref<8192xi32, #tpu.memory_space<vmem_shared>>)
        tpu.yield
      }) : () -> ()
    }
    %scan3A_4 = arith.constant 4 : i32
    %barrier3A = arith.constant 0 : index
    tpu.barrier barrier_id(%barrier3A)
    "tpu.region"() ({
      %run_scoped3A = tpu.sem_alloc : memref<!tpu.dma_semaphore, #tpu.memory_space<semaphore_mem>>
      tpu.enqueue_dma source(%arg6 : memref<96xf32, #tpu.memory_space<hbm>>) target(%arg8 : memref<96xf32, #tpu.memory_space<vmem>>) target_semaphore(%run_scoped3A : memref<!tpu.dma_semaphore, #tpu.memory_space<semaphore_mem>>)
      tpu.wait_dma2 semaphore(%run_scoped3A : memref<!tpu.dma_semaphore, #tpu.memory_space<semaphore_mem>>) src(%arg6 : memref<96xf32, #tpu.memory_space<hbm>>) dst(%arg8 : memref<96xf32, #tpu.memory_space<vmem>>)
      tpu.yield
    }) : () -> ()
    %get3A = arith.constant 0 : index
    %get3A_5 = tpu.vector_load %arg8[%get3A] {strides = array<i32>} : memref<96xf32, #tpu.memory_space<vmem>>, vector<16xf32>,
    %get3A_6 = arith.constant 16 : index
    %get3A_7 = tpu.vector_load %arg8[%get3A_6] {strides = array<i32>} : memref<96xf32, #tpu.memory_space<vmem>>, vector<16xf32>,
    %get3A_8 = arith.constant 32 : index
    %get3A_9 = tpu.vector_load %arg8[%get3A_8] {strides = array<i32>} : memref<96xf32, #tpu.memory_space<vmem>>, vector<16xf32>,
    %get3A_10 = arith.constant 48 : index
    %get3A_11 = tpu.vector_load %arg8[%get3A_10] {strides = array<i32>} : memref<96xf32, #tpu.memory_space<vmem>>, vector<16xf32>,
    %get3A_12 = arith.constant 64 : index
    %get3A_13 = tpu.vector_load %arg8[%get3A_12] {strides = array<i32>} : memref<96xf32, #tpu.memory_space<vmem>>, vector<16xf32>,
    %get3A_14 = arith.constant 80 : index
    %get3A_15 = tpu.vector_load %arg8[%get3A_14] {strides = array<i32>} : memref<96xf32, #tpu.memory_space<vmem>>, vector<16xf32>,
    %scan3A_16 = arith.constant 0 : i32
    %scan3A_17 = arith.constant 8 : i32
    %scan3A_18 = arith.addi %scan3A_16, %scan3A_17 : i32
    %scan3A_19 = arith.constant 1 : i32
    scf.for %scan3A_21 = %scan3A_16 to %scan3A_18 step %scan3A_19  : i32 {
      %mul3A_22 = arith.constant 1 : i32
      %mul3A_23 = arith.muli %scan3A_21, %mul3A_22 : i32
      %add3A_24 = arith.constant 0 : i32
      %add3A_25 = arith.addi %add3A_24, %mul3A_23 : i32
      %mul3A_26 = arith.constant 65536 : i32
      %mul3A_27 = arith.muli %add3A, %mul3A_26 : i32
      %mul3A_28 = arith.constant 8192 : i32
      %mul3A_29 = arith.muli %add3A_25, %mul3A_28 : i32
      %add3A_30 = arith.addi %mul3A_27, %mul3A_29 : i32
      %dma_start3A = tpu.memref_slice %arg2[%add3A_30] : memref<2097152xf32, #tpu.memory_space<hbm>> -> memref<8192xf32, #tpu.memory_space<hbm>>
      %dma_start3A_31 = tpu.memref_slice %arg2[%add3A_30] : memref<2097152xf32, #tpu.memory_space<hbm>> -> memref<8192xf32, #tpu.memory_space<hbm>>
      tpu.enqueue_dma source(%dma_start3A_31 : memref<8192xf32, #tpu.memory_space<hbm>>) target(%arg9 : memref<8192xf32, #tpu.memory_space<vmem>>) target_semaphore(%arg17 : memref<!tpu.dma_semaphore, #tpu.memory_space<semaphore_mem>>)
      %dma_start3A_32 = tpu.memref_slice %arg3[%add3A_30] : memref<2097152xf32, #tpu.memory_space<hbm>> -> memref<8192xf32, #tpu.memory_space<hbm>>
      %dma_start3A_33 = tpu.memref_slice %arg3[%add3A_30] : memref<2097152xf32, #tpu.memory_space<hbm>> -> memref<8192xf32, #tpu.memory_space<hbm>>
      tpu.enqueue_dma source(%dma_start3A_33 : memref<8192xf32, #tpu.memory_space<hbm>>) target(%arg10 : memref<8192xf32, #tpu.memory_space<vmem>>) target_semaphore(%arg17 : memref<!tpu.dma_semaphore, #tpu.memory_space<semaphore_mem>>)
      %dma_start3A_34 = tpu.memref_slice %arg4[%add3A_30] : memref<2097152xf32, #tpu.memory_space<hbm>> -> memref<8192xf32, #tpu.memory_space<hbm>>
      %dma_start3A_35 = tpu.memref_slice %arg4[%add3A_30] : memref<2097152xf32, #tpu.memory_space<hbm>> -> memref<8192xf32, #tpu.memory_space<hbm>>
      tpu.enqueue_dma source(%dma_start3A_35 : memref<8192xf32, #tpu.memory_space<hbm>>) target(%arg11 : memref<8192xf32, #tpu.memory_space<vmem>>) target_semaphore(%arg17 : memref<!tpu.dma_semaphore, #tpu.memory_space<semaphore_mem>>)
      %dma_wait3A = tpu.memref_slice %arg2[%add3A_30] : memref<2097152xf32, #tpu.memory_space<hbm>> -> memref<8192xf32, #tpu.memory_space<hbm>>
      %dma_wait3A_36 = tpu.memref_slice %arg2[%add3A_30] : memref<2097152xf32, #tpu.memory_space<hbm>> -> memref<8192xf32, #tpu.memory_space<hbm>>
      tpu.wait_dma2 semaphore(%arg17 : memref<!tpu.dma_semaphore, #tpu.memory_space<semaphore_mem>>) src(%dma_wait3A_36 : memref<8192xf32, #tpu.memory_space<hbm>>) dst(%arg9 : memref<8192xf32, #tpu.memory_space<vmem>>)
      %dma_wait3A_37 = tpu.memref_slice %arg3[%add3A_30] : memref<2097152xf32, #tpu.memory_space<hbm>> -> memref<8192xf32, #tpu.memory_space<hbm>>
      %dma_wait3A_38 = tpu.memref_slice %arg3[%add3A_30] : memref<2097152xf32, #tpu.memory_space<hbm>> -> memref<8192xf32, #tpu.memory_space<hbm>>
      tpu.wait_dma2 semaphore(%arg17 : memref<!tpu.dma_semaphore, #tpu.memory_space<semaphore_mem>>) src(%dma_wait3A_38 : memref<8192xf32, #tpu.memory_space<hbm>>) dst(%arg10 : memref<8192xf32, #tpu.memory_space<vmem>>)
      %dma_wait3A_39 = tpu.memref_slice %arg4[%add3A_30] : memref<2097152xf32, #tpu.memory_space<hbm>> -> memref<8192xf32, #tpu.memory_space<hbm>>
      %dma_wait3A_40 = tpu.memref_slice %arg4[%add3A_30] : memref<2097152xf32, #tpu.memory_space<hbm>> -> memref<8192xf32, #tpu.memory_space<hbm>>
      tpu.wait_dma2 semaphore(%arg17 : memref<!tpu.dma_semaphore, #tpu.memory_space<semaphore_mem>>) src(%dma_wait3A_40 : memref<8192xf32, #tpu.memory_space<hbm>>) dst(%arg11 : memref<8192xf32, #tpu.memory_space<vmem>>)
      %scan3A_41 = arith.constant 0 : i32
      %scan3A_42 = arith.constant 64 : i32
      %scan3A_43 = arith.addi %scan3A_41, %scan3A_42 : i32
      %scan3A_44 = arith.constant 1 : i32
      scf.for %scan3A_60 = %scan3A_41 to %scan3A_43 step %scan3A_44  : i32 {
        %mul3A_61 = arith.constant 1 : i32
        %mul3A_62 = arith.muli %scan3A_60, %mul3A_61 : i32
        %add3A_63 = arith.constant 0 : i32
        %add3A_64 = arith.addi %add3A_63, %mul3A_62 : i32
        %mul3A_65 = arith.constant 128 : i32
        %mul3A_66 = arith.muli %add3A_64, %mul3A_65 : i32
        %add3A_67 = arith.constant 0 : i32
        %add3A_68 = arith.addi %mul3A_66, %add3A_67 : i32
        %get3A_69 = arith.index_cast %add3A_68 : i32 to index
        %get3A_70 = tpu.vector_load %arg9[%get3A_69] {strides = array<i32>} : memref<8192xf32, #tpu.memory_space<vmem>>, vector<16xf32>,
        %get3A_71 = arith.index_cast %add3A_68 : i32 to index
        %get3A_72 = tpu.vector_load %arg10[%get3A_71] {strides = array<i32>} : memref<8192xf32, #tpu.memory_space<vmem>>, vector<16xf32>,
        %get3A_73 = arith.index_cast %add3A_68 : i32 to index
        %get3A_74 = tpu.vector_load %arg11[%get3A_73] {strides = array<i32>} : memref<8192xf32, #tpu.memory_space<vmem>>, vector<16xf32>,
        %mul3A_75 = arith.mulf %get3A_70, %get3A_5 : vector<16xf32>
        %add3A_76 = arith.addf %mul3A_75, %get3A_11 : vector<16xf32>
        %add3A_77 = arith.constant 0x4B000000 : f32
        %add3A_78 = vector.broadcast %add3A_77 : f32 to vector<16xf32>
        %add3A_79 = arith.addf %add3A_76, %add3A_78 : vector<16xf32>
        %sub3A = arith.constant 0x4B000000 : f32
        %sub3A_80 = vector.broadcast %sub3A : f32 to vector<16xf32>
        %sub3A_81 = arith.subf %add3A_79, %sub3A_80 : vector<16xf32>
        %mul3A_82 = arith.mulf %get3A_72, %get3A_7 : vector<16xf32>
        %add3A_83 = arith.addf %mul3A_82, %get3A_13 : vector<16xf32>
        %add3A_84 = arith.constant 0x4B000000 : f32
        %add3A_85 = vector.broadcast %add3A_84 : f32 to vector<16xf32>
        %add3A_86 = arith.addf %add3A_83, %add3A_85 : vector<16xf32>
        %sub3A_87 = arith.constant 0x4B000000 : f32
        %sub3A_88 = vector.broadcast %sub3A_87 : f32 to vector<16xf32>
        %sub3A_89 = arith.subf %add3A_86, %sub3A_88 : vector<16xf32>
        %mul3A_90 = arith.mulf %get3A_74, %get3A_9 : vector<16xf32>
        %add3A_91 = arith.addf %mul3A_90, %get3A_15 : vector<16xf32>
        %add3A_92 = arith.constant 0x4B000000 : f32
        %add3A_93 = vector.broadcast %add3A_92 : f32 to vector<16xf32>
        %add3A_94 = arith.addf %add3A_91, %add3A_93 : vector<16xf32>
        %sub3A_95 = arith.constant 0x4B000000 : f32
        %sub3A_96 = vector.broadcast %sub3A_95 : f32 to vector<16xf32>
        %sub3A_97 = arith.subf %add3A_94, %sub3A_96 : vector<16xf32>
        %convert_element_type3A = arith.fptosi %sub3A_81 : vector<16xf32> to vector<16xi32>
        %convert_element_type3A_98 = arith.fptosi %sub3A_89 : vector<16xf32> to vector<16xi32>
        %convert_element_type3A_99 = arith.fptosi %sub3A_97 : vector<16xf32> to vector<16xi32>
        %ge3A = arith.constant 0 : i32
        %ge3A_100 = vector.broadcast %ge3A : i32 to vector<16xi32>
        %ge3A_101 = arith.cmpi sge, %convert_element_type3A, %ge3A_100 : vector<16xi32>
        %lt3A = arith.constant 256 : i32
        %lt3A_102 = vector.broadcast %lt3A : i32 to vector<16xi32>
        %lt3A_103 = arith.cmpi slt, %convert_element_type3A, %lt3A_102 : vector<16xi32>
        %and3A = arith.andi %ge3A_101, %lt3A_103 : vector<16xi1>
        %ge3A_104 = arith.constant 0 : i32
        %ge3A_105 = vector.broadcast %ge3A_104 : i32 to vector<16xi32>
        %ge3A_106 = arith.cmpi sge, %convert_element_type3A_98, %ge3A_105 : vector<16xi32>
        %and3A_107 = arith.andi %and3A, %ge3A_106 : vector<16xi1>
        %lt3A_108 = arith.constant 256 : i32
        %lt3A_109 = vector.broadcast %lt3A_108 : i32 to vector<16xi32>
        %lt3A_110 = arith.cmpi slt, %convert_element_type3A_98, %lt3A_109 : vector<16xi32>
        %and3A_111 = arith.andi %and3A_107, %lt3A_110 : vector<16xi1>
        %ge3A_112 = arith.constant 0 : i32
        %ge3A_113 = vector.broadcast %ge3A_112 : i32 to vector<16xi32>
        %ge3A_114 = arith.cmpi sge, %convert_element_type3A_99, %ge3A_113 : vector<16xi32>
        %and3A_115 = arith.andi %and3A_111, %ge3A_114 : vector<16xi1>
        %lt3A_116 = arith.constant 256 : i32
        %lt3A_117 = vector.broadcast %lt3A_116 : i32 to vector<16xi32>
        %lt3A_118 = arith.cmpi slt, %convert_element_type3A_99, %lt3A_117 : vector<16xi32>
        %and3A_119 = arith.andi %and3A_115, %lt3A_118 : vector<16xi1>
        %mul3A_120 = arith.constant 65536 : i32
        %mul3A_121 = vector.broadcast %mul3A_120 : i32 to vector<16xi32>
        %mul3A_122 = arith.muli %convert_element_type3A, %mul3A_121 : vector<16xi32>
        %mul3A_123 = arith.constant 256 : i32
        %mul3A_124 = vector.broadcast %mul3A_123 : i32 to vector<16xi32>
        %mul3A_125 = arith.muli %convert_element_type3A_98, %mul3A_124 : vector<16xi32>
        %add3A_126 = arith.addi %mul3A_122, %mul3A_125 : vector<16xi32>
        %add3A_127 = arith.addi %add3A_126, %convert_element_type3A_99 : vector<16xi32>
        %jit3A = arith.constant 0 : i32
        %jit3A_128 = arith.constant 16777215 : i32
        %max3A = vector.broadcast %jit3A : i32 to vector<16xi32>
        %max3A_129 = arith.maxsi %max3A, %add3A_127 : vector<16xi32>
        %min3A = vector.broadcast %jit3A_128 : i32 to vector<16xi32>
        %min3A_130 = arith.minsi %min3A, %max3A_129 : vector<16xi32>
        %and3A_131 = arith.constant 31 : i32
        %and3A_132 = vector.broadcast %and3A_131 : i32 to vector<16xi32>
        %and3A_133 = arith.andi %min3A_130, %and3A_132 : vector<16xi32>
        %convert_element_type3A_134 = arith.extui %and3A_119 : vector<16xi1> to vector<16xi32>
        %shift_left3A = arith.constant 5 : i32
        %shift_left3A_135 = vector.broadcast %shift_left3A : i32 to vector<16xi32>
        %shift_left3A_136 = arith.shli %convert_element_type3A_134, %shift_left3A_135 : vector<16xi32>
        %or3A = arith.ori %and3A_133, %shift_left3A_136 : vector<16xi32>
        %shift_right_arithmetic3A = arith.constant 5 : i32
        %shift_right_arithmetic3A_137 = vector.broadcast %shift_right_arithmetic3A : i32 to vector<16xi32>
        %shift_right_arithmetic3A_138 = arith.shrsi %min3A_130, %shift_right_arithmetic3A_137 : vector<16xi32>
        %swap3A = arith.index_cast %add3A_64 : i32 to index
        %swap3A_139 = arith.constant 0 : index
        %swap3A_140 = tpu.vector_load %arg12[%swap3A, %swap3A_139] {strides = array<i32>} : memref<64x128xi32, #tpu.memory_space<vmem>>, vector<16xi32>,
        tpu.vector_store %arg12[%swap3A, %swap3A_139], %shift_right_arithmetic3A_138 {strides = array<i32>} : memref<64x128xi32, #tpu.memory_space<vmem>>, vector<16xi32>,
        %swap3A_141 = arith.index_cast %add3A_68 : i32 to index
        %swap3A_142 = tpu.vector_load %arg13[%swap3A_141] {strides = array<i32>} : memref<8192xi32, #tpu.memory_space<vmem>>, vector<16xi32>,
        tpu.vector_store %arg13[%swap3A_141], %or3A {strides = array<i32>} : memref<8192xi32, #tpu.memory_space<vmem>>, vector<16xi32>,
        %mul3A_143 = arith.constant 128 : i32
        %mul3A_144 = arith.muli %add3A_64, %mul3A_143 : i32
        %add3A_145 = arith.constant 16 : i32
        %add3A_146 = arith.addi %mul3A_144, %add3A_145 : i32
        %get3A_147 = arith.index_cast %add3A_146 : i32 to index
        %get3A_148 = tpu.vector_load %arg9[%get3A_147] {strides = array<i32>} : memref<8192xf32, #tpu.memory_space<vmem>>, vector<16xf32>,
        %get3A_149 = arith.index_cast %add3A_146 : i32 to index
        %get3A_150 = tpu.vector_load %arg10[%get3A_149] {strides = array<i32>} : memref<8192xf32, #tpu.memory_space<vmem>>, vector<16xf32>,
        %get3A_151 = arith.index_cast %add3A_146 : i32 to index
        %get3A_152 = tpu.vector_load %arg11[%get3A_151] {strides = array<i32>} : memref<8192xf32, #tpu.memory_space<vmem>>, vector<16xf32>,
        %mul3A_153 = arith.mulf %get3A_148, %get3A_5 : vector<16xf32>
        %add3A_154 = arith.addf %mul3A_153, %get3A_11 : vector<16xf32>
        %add3A_155 = arith.constant 0x4B000000 : f32
        %add3A_156 = vector.broadcast %add3A_155 : f32 to vector<16xf32>
        %add3A_157 = arith.addf %add3A_154, %add3A_156 : vector<16xf32>
        %sub3A_158 = arith.constant 0x4B000000 : f32
        %sub3A_159 = vector.broadcast %sub3A_158 : f32 to vector<16xf32>
        %sub3A_160 = arith.subf %add3A_157, %sub3A_159 : vector<16xf32>
        %mul3A_161 = arith.mulf %get3A_150, %get3A_7 : vector<16xf32>
        %add3A_162 = arith.addf %mul3A_161, %get3A_13 : vector<16xf32>
        %add3A_163 = arith.constant 0x4B000000 : f32
        %add3A_164 = vector.broadcast %add3A_163 : f32 to vector<16xf32>
        %add3A_165 = arith.addf %add3A_162, %add3A_164 : vector<16xf32>
        %sub3A_166 = arith.constant 0x4B000000 : f32
        %sub3A_167 = vector.broadcast %sub3A_166 : f32 to vector<16xf32>
        %sub3A_168 = arith.subf %add3A_165, %sub3A_167 : vector<16xf32>
        %mul3A_169 = arith.mulf %get3A_152, %get3A_9 : vector<16xf32>
        %add3A_170 = arith.addf %mul3A_169, %get3A_15 : vector<16xf32>
        %add3A_171 = arith.constant 0x4B000000 : f32
        %add3A_172 = vector.broadcast %add3A_171 : f32 to vector<16xf32>
        %add3A_173 = arith.addf %add3A_170, %add3A_172 : vector<16xf32>
        %sub3A_174 = arith.constant 0x4B000000 : f32
        %sub3A_175 = vector.broadcast %sub3A_174 : f32 to vector<16xf32>
        %sub3A_176 = arith.subf %add3A_173, %sub3A_175 : vector<16xf32>
        %convert_element_type3A_177 = arith.fptosi %sub3A_160 : vector<16xf32> to vector<16xi32>
        %convert_element_type3A_178 = arith.fptosi %sub3A_168 : vector<16xf32> to vector<16xi32>
        %convert_element_type3A_179 = arith.fptosi %sub3A_176 : vector<16xf32> to vector<16xi32>
        %ge3A_180 = arith.constant 0 : i32
        %ge3A_181 = vector.broadcast %ge3A_180 : i32 to vector<16xi32>
        %ge3A_182 = arith.cmpi sge, %convert_element_type3A_177, %ge3A_181 : vector<16xi32>
        %lt3A_183 = arith.constant 256 : i32
        %lt3A_184 = vector.broadcast %lt3A_183 : i32 to vector<16xi32>
        %lt3A_185 = arith.cmpi slt, %convert_element_type3A_177, %lt3A_184 : vector<16xi32>
        %and3A_186 = arith.andi %ge3A_182, %lt3A_185 : vector<16xi1>
        %ge3A_187 = arith.constant 0 : i32
        %ge3A_188 = vector.broadcast %ge3A_187 : i32 to vector<16xi32>
        %ge3A_189 = arith.cmpi sge, %convert_element_type3A_178, %ge3A_188 : vector<16xi32>
        %and3A_190 = arith.andi %and3A_186, %ge3A_189 : vector<16xi1>
        %lt3A_191 = arith.constant 256 : i32
        %lt3A_192 = vector.broadcast %lt3A_191 : i32 to vector<16xi32>
        %lt3A_193 = arith.cmpi slt, %convert_element_type3A_178, %lt3A_192 : vector<16xi32>
        %and3A_194 = arith.andi %and3A_190, %lt3A_193 : vector<16xi1>
        %ge3A_195 = arith.constant 0 : i32
        %ge3A_196 = vector.broadcast %ge3A_195 : i32 to vector<16xi32>
        %ge3A_197 = arith.cmpi sge, %convert_element_type3A_179, %ge3A_196 : vector<16xi32>
        %and3A_198 = arith.andi %and3A_194, %ge3A_197 : vector<16xi1>
        %lt3A_199 = arith.constant 256 : i32
        %lt3A_200 = vector.broadcast %lt3A_199 : i32 to vector<16xi32>
        %lt3A_201 = arith.cmpi slt, %convert_element_type3A_179, %lt3A_200 : vector<16xi32>
        %and3A_202 = arith.andi %and3A_198, %lt3A_201 : vector<16xi1>
        %mul3A_203 = arith.constant 65536 : i32
        %mul3A_204 = vector.broadcast %mul3A_203 : i32 to vector<16xi32>
        %mul3A_205 = arith.muli %convert_element_type3A_177, %mul3A_204 : vector<16xi32>
        %mul3A_206 = arith.constant 256 : i32
        %mul3A_207 = vector.broadcast %mul3A_206 : i32 to vector<16xi32>
        %mul3A_208 = arith.muli %convert_element_type3A_178, %mul3A_207 : vector<16xi32>
        %add3A_209 = arith.addi %mul3A_205, %mul3A_208 : vector<16xi32>
        %add3A_210 = arith.addi %add3A_209, %convert_element_type3A_179 : vector<16xi32>
        %jit3A_211 = arith.constant 0 : i32
        %jit3A_212 = arith.constant 16777215 : i32
        %max3A_213 = vector.broadcast %jit3A_211 : i32 to vector<16xi32>
        %max3A_214 = arith.maxsi %max3A_213, %add3A_210 : vector<16xi32>
        %min3A_215 = vector.broadcast %jit3A_212 : i32 to vector<16xi32>
        %min3A_216 = arith.minsi %min3A_215, %max3A_214 : vector<16xi32>
        %and3A_217 = arith.constant 31 : i32
        %and3A_218 = vector.broadcast %and3A_217 : i32 to vector<16xi32>
        %and3A_219 = arith.andi %min3A_216, %and3A_218 : vector<16xi32>
        %convert_element_type3A_220 = arith.extui %and3A_202 : vector<16xi1> to vector<16xi32>
        %shift_left3A_221 = arith.constant 5 : i32
        %shift_left3A_222 = vector.broadcast %shift_left3A_221 : i32 to vector<16xi32>
        %shift_left3A_223 = arith.shli %convert_element_type3A_220, %shift_left3A_222 : vector<16xi32>
        %or3A_224 = arith.ori %and3A_219, %shift_left3A_223 : vector<16xi32>
        %shift_right_arithmetic3A_225 = arith.constant 5 : i32
        %shift_right_arithmetic3A_226 = vector.broadcast %shift_right_arithmetic3A_225 : i32 to vector<16xi32>
        %shift_right_arithmetic3A_227 = arith.shrsi %min3A_216, %shift_right_arithmetic3A_226 : vector<16xi32>
        %swap3A_228 = arith.index_cast %add3A_64 : i32 to index
        %swap3A_229 = arith.constant 16 : index
        %swap3A_230 = tpu.vector_load %arg12[%swap3A_228, %swap3A_229] {strides = array<i32>} : memref<64x128xi32, #tpu.memory_space<vmem>>, vector<16xi32>,
        tpu.vector_store %arg12[%swap3A_228, %swap3A_229], %shift_right_arithmetic3A_227 {strides = array<i32>} : memref<64x128xi32, #tpu.memory_space<vmem>>, vector<16xi32>,
        %swap3A_231 = arith.index_cast %add3A_146 : i32 to index
        %swap3A_232 = tpu.vector_load %arg13[%swap3A_231] {strides = array<i32>} : memref<8192xi32, #tpu.memory_space<vmem>>, vector<16xi32>,
        tpu.vector_store %arg13[%swap3A_231], %or3A_224 {strides = array<i32>} : memref<8192xi32, #tpu.memory_space<vmem>>, vector<16xi32>,
        %mul3A_233 = arith.constant 128 : i32
        %mul3A_234 = arith.muli %add3A_64, %mul3A_233 : i32
        %add3A_235 = arith.constant 32 : i32
        %add3A_236 = arith.addi %mul3A_234, %add3A_235 : i32
        %get3A_237 = arith.index_cast %add3A_236 : i32 to index
        %get3A_238 = tpu.vector_load %arg9[%get3A_237] {strides = array<i32>} : memref<8192xf32, #tpu.memory_space<vmem>>, vector<16xf32>,
        %get3A_239 = arith.index_cast %add3A_236 : i32 to index
        %get3A_240 = tpu.vector_load %arg10[%get3A_239] {strides = array<i32>} : memref<8192xf32, #tpu.memory_space<vmem>>, vector<16xf32>,
        %get3A_241 = arith.index_cast %add3A_236 : i32 to index
        %get3A_242 = tpu.vector_load %arg11[%get3A_241] {strides = array<i32>} : memref<8192xf32, #tpu.memory_space<vmem>>, vector<16xf32>,
        %mul3A_243 = arith.mulf %get3A_238, %get3A_5 : vector<16xf32>
        %add3A_244 = arith.addf %mul3A_243, %get3A_11 : vector<16xf32>
        %add3A_245 = arith.constant 0x4B000000 : f32
        %add3A_246 = vector.broadcast %add3A_245 : f32 to vector<16xf32>
        %add3A_247 = arith.addf %add3A_244, %add3A_246 : vector<16xf32>
        %sub3A_248 = arith.constant 0x4B000000 : f32
        %sub3A_249 = vector.broadcast %sub3A_248 : f32 to vector<16xf32>
        %sub3A_250 = arith.subf %add3A_247, %sub3A_249 : vector<16xf32>
        %mul3A_251 = arith.mulf %get3A_240, %get3A_7 : vector<16xf32>
        %add3A_252 = arith.addf %mul3A_251, %get3A_13 : vector<16xf32>
        %add3A_253 = arith.constant 0x4B000000 : f32
        %add3A_254 = vector.broadcast %add3A_253 : f32 to vector<16xf32>
        %add3A_255 = arith.addf %add3A_252, %add3A_254 : vector<16xf32>
        %sub3A_256 = arith.constant 0x4B000000 : f32
        %sub3A_257 = vector.broadcast %sub3A_256 : f32 to vector<16xf32>
        %sub3A_258 = arith.subf %add3A_255, %sub3A_257 : vector<16xf32>
        %mul3A_259 = arith.mulf %get3A_242, %get3A_9 : vector<16xf32>
        %add3A_260 = arith.addf %mul3A_259, %get3A_15 : vector<16xf32>
        %add3A_261 = arith.constant 0x4B000000 : f32
        %add3A_262 = vector.broadcast %add3A_261 : f32 to vector<16xf32>
        %add3A_263 = arith.addf %add3A_260, %add3A_262 : vector<16xf32>
        %sub3A_264 = arith.constant 0x4B000000 : f32
        %sub3A_265 = vector.broadcast %sub3A_264 : f32 to vector<16xf32>
        %sub3A_266 = arith.subf %add3A_263, %sub3A_265 : vector<16xf32>
        %convert_element_type3A_267 = arith.fptosi %sub3A_250 : vector<16xf32> to vector<16xi32>
        %convert_element_type3A_268 = arith.fptosi %sub3A_258 : vector<16xf32> to vector<16xi32>
        %convert_element_type3A_269 = arith.fptosi %sub3A_266 : vector<16xf32> to vector<16xi32>
        %ge3A_270 = arith.constant 0 : i32
        %ge3A_271 = vector.broadcast %ge3A_270 : i32 to vector<16xi32>
        %ge3A_272 = arith.cmpi sge, %convert_element_type3A_267, %ge3A_271 : vector<16xi32>
        %lt3A_273 = arith.constant 256 : i32
        %lt3A_274 = vector.broadcast %lt3A_273 : i32 to vector<16xi32>
        %lt3A_275 = arith.cmpi slt, %convert_element_type3A_267, %lt3A_274 : vector<16xi32>
        %and3A_276 = arith.andi %ge3A_272, %lt3A_275 : vector<16xi1>
        %ge3A_277 = arith.constant 0 : i32
        %ge3A_278 = vector.broadcast %ge3A_277 : i32 to vector<16xi32>
        %ge3A_279 = arith.cmpi sge, %convert_element_type3A_268, %ge3A_278 : vector<16xi32>
        %and3A_280 = arith.andi %and3A_276, %ge3A_279 : vector<16xi1>
        %lt3A_281 = arith.constant 256 : i32
        %lt3A_282 = vector.broadcast %lt3A_281 : i32 to vector<16xi32>
        %lt3A_283 = arith.cmpi slt, %convert_element_type3A_268, %lt3A_282 : vector<16xi32>
        %and3A_284 = arith.andi %and3A_280, %lt3A_283 : vector<16xi1>
        %ge3A_285 = arith.constant 0 : i32
        %ge3A_286 = vector.broadcast %ge3A_285 : i32 to vector<16xi32>
        %ge3A_287 = arith.cmpi sge, %convert_element_type3A_269, %ge3A_286 : vector<16xi32>
        %and3A_288 = arith.andi %and3A_284, %ge3A_287 : vector<16xi1>
        %lt3A_289 = arith.constant 256 : i32
        %lt3A_290 = vector.broadcast %lt3A_289 : i32 to vector<16xi32>
        %lt3A_291 = arith.cmpi slt, %convert_element_type3A_269, %lt3A_290 : vector<16xi32>
        %and3A_292 = arith.andi %and3A_288, %lt3A_291 : vector<16xi1>
        %mul3A_293 = arith.constant 65536 : i32
        %mul3A_294 = vector.broadcast %mul3A_293 : i32 to vector<16xi32>
        %mul3A_295 = arith.muli %convert_element_type3A_267, %mul3A_294 : vector<16xi32>
        %mul3A_296 = arith.constant 256 : i32
        %mul3A_297 = vector.broadcast %mul3A_296 : i32 to vector<16xi32>
        %mul3A_298 = arith.muli %convert_element_type3A_268, %mul3A_297 : vector<16xi32>
        %add3A_299 = arith.addi %mul3A_295, %mul3A_298 : vector<16xi32>
        %add3A_300 = arith.addi %add3A_299, %convert_element_type3A_269 : vector<16xi32>
        %jit3A_301 = arith.constant 0 : i32
        %jit3A_302 = arith.constant 16777215 : i32
        %max3A_303 = vector.broadcast %jit3A_301 : i32 to vector<16xi32>
        %max3A_304 = arith.maxsi %max3A_303, %add3A_300 : vector<16xi32>
        %min3A_305 = vector.broadcast %jit3A_302 : i32 to vector<16xi32>
        %min3A_306 = arith.minsi %min3A_305, %max3A_304 : vector<16xi32>
        %and3A_307 = arith.constant 31 : i32
        %and3A_308 = vector.broadcast %and3A_307 : i32 to vector<16xi32>
        %and3A_309 = arith.andi %min3A_306, %and3A_308 : vector<16xi32>
        %convert_element_type3A_310 = arith.extui %and3A_292 : vector<16xi1> to vector<16xi32>
        %shift_left3A_311 = arith.constant 5 : i32
        %shift_left3A_312 = vector.broadcast %shift_left3A_311 : i32 to vector<16xi32>
        %shift_left3A_313 = arith.shli %convert_element_type3A_310, %shift_left3A_312 : vector<16xi32>
        %or3A_314 = arith.ori %and3A_309, %shift_left3A_313 : vector<16xi32>
        %shift_right_arithmetic3A_315 = arith.constant 5 : i32
        %shift_right_arithmetic3A_316 = vector.broadcast %shift_right_arithmetic3A_315 : i32 to vector<16xi32>
        %shift_right_arithmetic3A_317 = arith.shrsi %min3A_306, %shift_right_arithmetic3A_316 : vector<16xi32>
        %swap3A_318 = arith.index_cast %add3A_64 : i32 to index
        %swap3A_319 = arith.constant 32 : index
        %swap3A_320 = tpu.vector_load %arg12[%swap3A_318, %swap3A_319] {strides = array<i32>} : memref<64x128xi32, #tpu.memory_space<vmem>>, vector<16xi32>,
        tpu.vector_store %arg12[%swap3A_318, %swap3A_319], %shift_right_arithmetic3A_317 {strides = array<i32>} : memref<64x128xi32, #tpu.memory_space<vmem>>, vector<16xi32>,
        %swap3A_321 = arith.index_cast %add3A_236 : i32 to index
        %swap3A_322 = tpu.vector_load %arg13[%swap3A_321] {strides = array<i32>} : memref<8192xi32, #tpu.memory_space<vmem>>, vector<16xi32>,
        tpu.vector_store %arg13[%swap3A_321], %or3A_314 {strides = array<i32>} : memref<8192xi32, #tpu.memory_space<vmem>>, vector<16xi32>,
        %mul3A_323 = arith.constant 128 : i32
        %mul3A_324 = arith.muli %add3A_64, %mul3A_323 : i32
        %add3A_325 = arith.constant 48 : i32
        %add3A_326 = arith.addi %mul3A_324, %add3A_325 : i32
        %get3A_327 = arith.index_cast %add3A_326 : i32 to index
        %get3A_328 = tpu.vector_load %arg9[%get3A_327] {strides = array<i32>} : memref<8192xf32, #tpu.memory_space<vmem>>, vector<16xf32>,
        %get3A_329 = arith.index_cast %add3A_326 : i32 to index
        %get3A_330 = tpu.vector_load %arg10[%get3A_329] {strides = array<i32>} : memref<8192xf32, #tpu.memory_space<vmem>>, vector<16xf32>,
        %get3A_331 = arith.index_cast %add3A_326 : i32 to index
        %get3A_332 = tpu.vector_load %arg11[%get3A_331] {strides = array<i32>} : memref<8192xf32, #tpu.memory_space<vmem>>, vector<16xf32>,
        %mul3A_333 = arith.mulf %get3A_328, %get3A_5 : vector<16xf32>
        %add3A_334 = arith.addf %mul3A_333, %get3A_11 : vector<16xf32>
        %add3A_335 = arith.constant 0x4B000000 : f32
        %add3A_336 = vector.broadcast %add3A_335 : f32 to vector<16xf32>
        %add3A_337 = arith.addf %add3A_334, %add3A_336 : vector<16xf32>
        %sub3A_338 = arith.constant 0x4B000000 : f32
        %sub3A_339 = vector.broadcast %sub3A_338 : f32 to vector<16xf32>
        %sub3A_340 = arith.subf %add3A_337, %sub3A_339 : vector<16xf32>
        %mul3A_341 = arith.mulf %get3A_330, %get3A_7 : vector<16xf32>
        %add3A_342 = arith.addf %mul3A_341, %get3A_13 : vector<16xf32>
        %add3A_343 = arith.constant 0x4B000000 : f32
        %add3A_344 = vector.broadcast %add3A_343 : f32 to vector<16xf32>
        %add3A_345 = arith.addf %add3A_342, %add3A_344 : vector<16xf32>
        %sub3A_346 = arith.constant 0x4B000000 : f32
        %sub3A_347 = vector.broadcast %sub3A_346 : f32 to vector<16xf32>
        %sub3A_348 = arith.subf %add3A_345, %sub3A_347 : vector<16xf32>
        %mul3A_349 = arith.mulf %get3A_332, %get3A_9 : vector<16xf32>
        %add3A_350 = arith.addf %mul3A_349, %get3A_15 : vector<16xf32>
        %add3A_351 = arith.constant 0x4B000000 : f32
        %add3A_352 = vector.broadcast %add3A_351 : f32 to vector<16xf32>
        %add3A_353 = arith.addf %add3A_350, %add3A_352 : vector<16xf32>
        %sub3A_354 = arith.constant 0x4B000000 : f32
        %sub3A_355 = vector.broadcast %sub3A_354 : f32 to vector<16xf32>
        %sub3A_356 = arith.subf %add3A_353, %sub3A_355 : vector<16xf32>
        %convert_element_type3A_357 = arith.fptosi %sub3A_340 : vector<16xf32> to vector<16xi32>
        %convert_element_type3A_358 = arith.fptosi %sub3A_348 : vector<16xf32> to vector<16xi32>
        %convert_element_type3A_359 = arith.fptosi %sub3A_356 : vector<16xf32> to vector<16xi32>
        %ge3A_360 = arith.constant 0 : i32
        %ge3A_361 = vector.broadcast %ge3A_360 : i32 to vector<16xi32>
        %ge3A_362 = arith.cmpi sge, %convert_element_type3A_357, %ge3A_361 : vector<16xi32>
        %lt3A_363 = arith.constant 256 : i32
        %lt3A_364 = vector.broadcast %lt3A_363 : i32 to vector<16xi32>
        %lt3A_365 = arith.cmpi slt, %convert_element_type3A_357, %lt3A_364 : vector<16xi32>
        %and3A_366 = arith.andi %ge3A_362, %lt3A_365 : vector<16xi1>
        %ge3A_367 = arith.constant 0 : i32
        %ge3A_368 = vector.broadcast %ge3A_367 : i32 to vector<16xi32>
        %ge3A_369 = arith.cmpi sge, %convert_element_type3A_358, %ge3A_368 : vector<16xi32>
        %and3A_370 = arith.andi %and3A_366, %ge3A_369 : vector<16xi1>
        %lt3A_371 = arith.constant 256 : i32
        %lt3A_372 = vector.broadcast %lt3A_371 : i32 to vector<16xi32>
        %lt3A_373 = arith.cmpi slt, %convert_element_type3A_358, %lt3A_372 : vector<16xi32>
        %and3A_374 = arith.andi %and3A_370, %lt3A_373 : vector<16xi1>
        %ge3A_375 = arith.constant 0 : i32
        %ge3A_376 = vector.broadcast %ge3A_375 : i32 to vector<16xi32>
        %ge3A_377 = arith.cmpi sge, %convert_element_type3A_359, %ge3A_376 : vector<16xi32>
        %and3A_378 = arith.andi %and3A_374, %ge3A_377 : vector<16xi1>
        %lt3A_379 = arith.constant 256 : i32
        %lt3A_380 = vector.broadcast %lt3A_379 : i32 to vector<16xi32>
        %lt3A_381 = arith.cmpi slt, %convert_element_type3A_359, %lt3A_380 : vector<16xi32>
        %and3A_382 = arith.andi %and3A_378, %lt3A_381 : vector<16xi1>
        %mul3A_383 = arith.constant 65536 : i32
        %mul3A_384 = vector.broadcast %mul3A_383 : i32 to vector<16xi32>
        %mul3A_385 = arith.muli %convert_element_type3A_357, %mul3A_384 : vector<16xi32>
        %mul3A_386 = arith.constant 256 : i32
        %mul3A_387 = vector.broadcast %mul3A_386 : i32 to vector<16xi32>
        %mul3A_388 = arith.muli %convert_element_type3A_358, %mul3A_387 : vector<16xi32>
        %add3A_389 = arith.addi %mul3A_385, %mul3A_388 : vector<16xi32>
        %add3A_390 = arith.addi %add3A_389, %convert_element_type3A_359 : vector<16xi32>
        %jit3A_391 = arith.constant 0 : i32
        %jit3A_392 = arith.constant 16777215 : i32
        %max3A_393 = vector.broadcast %jit3A_391 : i32 to vector<16xi32>
        %max3A_394 = arith.maxsi %max3A_393, %add3A_390 : vector<16xi32>
        %min3A_395 = vector.broadcast %jit3A_392 : i32 to vector<16xi32>
        %min3A_396 = arith.minsi %min3A_395, %max3A_394 : vector<16xi32>
        %and3A_397 = arith.constant 31 : i32
        %and3A_398 = vector.broadcast %and3A_397 : i32 to vector<16xi32>
        %and3A_399 = arith.andi %min3A_396, %and3A_398 : vector<16xi32>
        %convert_element_type3A_400 = arith.extui %and3A_382 : vector<16xi1> to vector<16xi32>
        %shift_left3A_401 = arith.constant 5 : i32
        %shift_left3A_402 = vector.broadcast %shift_left3A_401 : i32 to vector<16xi32>
        %shift_left3A_403 = arith.shli %convert_element_type3A_400, %shift_left3A_402 : vector<16xi32>
        %or3A_404 = arith.ori %and3A_399, %shift_left3A_403 : vector<16xi32>
        %shift_right_arithmetic3A_405 = arith.constant 5 : i32
        %shift_right_arithmetic3A_406 = vector.broadcast %shift_right_arithmetic3A_405 : i32 to vector<16xi32>
        %shift_right_arithmetic3A_407 = arith.shrsi %min3A_396, %shift_right_arithmetic3A_406 : vector<16xi32>
        %swap3A_408 = arith.index_cast %add3A_64 : i32 to index
        %swap3A_409 = arith.constant 48 : index
        %swap3A_410 = tpu.vector_load %arg12[%swap3A_408, %swap3A_409] {strides = array<i32>} : memref<64x128xi32, #tpu.memory_space<vmem>>, vector<16xi32>,
        tpu.vector_store %arg12[%swap3A_408, %swap3A_409], %shift_right_arithmetic3A_407 {strides = array<i32>} : memref<64x128xi32, #tpu.memory_space<vmem>>, vector<16xi32>,
        %swap3A_411 = arith.index_cast %add3A_326 : i32 to index
        %swap3A_412 = tpu.vector_load %arg13[%swap3A_411] {strides = array<i32>} : memref<8192xi32, #tpu.memory_space<vmem>>, vector<16xi32>,
        tpu.vector_store %arg13[%swap3A_411], %or3A_404 {strides = array<i32>} : memref<8192xi32, #tpu.memory_space<vmem>>, vector<16xi32>,
        %mul3A_413 = arith.constant 128 : i32
        %mul3A_414 = arith.muli %add3A_64, %mul3A_413 : i32
        %add3A_415 = arith.constant 64 : i32
        %add3A_416 = arith.addi %mul3A_414, %add3A_415 : i32
        %get3A_417 = arith.index_cast %add3A_416 : i32 to index
        %get3A_418 = tpu.vector_load %arg9[%get3A_417] {strides = array<i32>} : memref<8192xf32, #tpu.memory_space<vmem>>, vector<16xf32>,
        %get3A_419 = arith.index_cast %add3A_416 : i32 to index
        %get3A_420 = tpu.vector_load %arg10[%get3A_419] {strides = array<i32>} : memref<8192xf32, #tpu.memory_space<vmem>>, vector<16xf32>,
        %get3A_421 = arith.index_cast %add3A_416 : i32 to index
        %get3A_422 = tpu.vector_load %arg11[%get3A_421] {strides = array<i32>} : memref<8192xf32, #tpu.memory_space<vmem>>, vector<16xf32>,
        %mul3A_423 = arith.mulf %get3A_418, %get3A_5 : vector<16xf32>
        %add3A_424 = arith.addf %mul3A_423, %get3A_11 : vector<16xf32>
        %add3A_425 = arith.constant 0x4B000000 : f32
        %add3A_426 = vector.broadcast %add3A_425 : f32 to vector<16xf32>
        %add3A_427 = arith.addf %add3A_424, %add3A_426 : vector<16xf32>
        %sub3A_428 = arith.constant 0x4B000000 : f32
        %sub3A_429 = vector.broadcast %sub3A_428 : f32 to vector<16xf32>
        %sub3A_430 = arith.subf %add3A_427, %sub3A_429 : vector<16xf32>
        %mul3A_431 = arith.mulf %get3A_420, %get3A_7 : vector<16xf32>
        %add3A_432 = arith.addf %mul3A_431, %get3A_13 : vector<16xf32>
        %add3A_433 = arith.constant 0x4B000000 : f32
        %add3A_434 = vector.broadcast %add3A_433 : f32 to vector<16xf32>
        %add3A_435 = arith.addf %add3A_432, %add3A_434 : vector<16xf32>
        %sub3A_436 = arith.constant 0x4B000000 : f32
        %sub3A_437 = vector.broadcast %sub3A_436 : f32 to vector<16xf32>
        %sub3A_438 = arith.subf %add3A_435, %sub3A_437 : vector<16xf32>
        %mul3A_439 = arith.mulf %get3A_422, %get3A_9 : vector<16xf32>
        %add3A_440 = arith.addf %mul3A_439, %get3A_15 : vector<16xf32>
        %add3A_441 = arith.constant 0x4B000000 : f32
        %add3A_442 = vector.broadcast %add3A_441 : f32 to vector<16xf32>
        %add3A_443 = arith.addf %add3A_440, %add3A_442 : vector<16xf32>
        %sub3A_444 = arith.constant 0x4B000000 : f32
        %sub3A_445 = vector.broadcast %sub3A_444 : f32 to vector<16xf32>
        %sub3A_446 = arith.subf %add3A_443, %sub3A_445 : vector<16xf32>
        %convert_element_type3A_447 = arith.fptosi %sub3A_430 : vector<16xf32> to vector<16xi32>
        %convert_element_type3A_448 = arith.fptosi %sub3A_438 : vector<16xf32> to vector<16xi32>
        %convert_element_type3A_449 = arith.fptosi %sub3A_446 : vector<16xf32> to vector<16xi32>
        %ge3A_450 = arith.constant 0 : i32
        %ge3A_451 = vector.broadcast %ge3A_450 : i32 to vector<16xi32>
        %ge3A_452 = arith.cmpi sge, %convert_element_type3A_447, %ge3A_451 : vector<16xi32>
        %lt3A_453 = arith.constant 256 : i32
        %lt3A_454 = vector.broadcast %lt3A_453 : i32 to vector<16xi32>
        %lt3A_455 = arith.cmpi slt, %convert_element_type3A_447, %lt3A_454 : vector<16xi32>
        %and3A_456 = arith.andi %ge3A_452, %lt3A_455 : vector<16xi1>
        %ge3A_457 = arith.constant 0 : i32
        %ge3A_458 = vector.broadcast %ge3A_457 : i32 to vector<16xi32>
        %ge3A_459 = arith.cmpi sge, %convert_element_type3A_448, %ge3A_458 : vector<16xi32>
        %and3A_460 = arith.andi %and3A_456, %ge3A_459 : vector<16xi1>
        %lt3A_461 = arith.constant 256 : i32
        %lt3A_462 = vector.broadcast %lt3A_461 : i32 to vector<16xi32>
        %lt3A_463 = arith.cmpi slt, %convert_element_type3A_448, %lt3A_462 : vector<16xi32>
        %and3A_464 = arith.andi %and3A_460, %lt3A_463 : vector<16xi1>
        %ge3A_465 = arith.constant 0 : i32
        %ge3A_466 = vector.broadcast %ge3A_465 : i32 to vector<16xi32>
        %ge3A_467 = arith.cmpi sge, %convert_element_type3A_449, %ge3A_466 : vector<16xi32>
        %and3A_468 = arith.andi %and3A_464, %ge3A_467 : vector<16xi1>
        %lt3A_469 = arith.constant 256 : i32
        %lt3A_470 = vector.broadcast %lt3A_469 : i32 to vector<16xi32>
        %lt3A_471 = arith.cmpi slt, %convert_element_type3A_449, %lt3A_470 : vector<16xi32>
        %and3A_472 = arith.andi %and3A_468, %lt3A_471 : vector<16xi1>
        %mul3A_473 = arith.constant 65536 : i32
        %mul3A_474 = vector.broadcast %mul3A_473 : i32 to vector<16xi32>
        %mul3A_475 = arith.muli %convert_element_type3A_447, %mul3A_474 : vector<16xi32>
        %mul3A_476 = arith.constant 256 : i32
        %mul3A_477 = vector.broadcast %mul3A_476 : i32 to vector<16xi32>
        %mul3A_478 = arith.muli %convert_element_type3A_448, %mul3A_477 : vector<16xi32>
        %add3A_479 = arith.addi %mul3A_475, %mul3A_478 : vector<16xi32>
        %add3A_480 = arith.addi %add3A_479, %convert_element_type3A_449 : vector<16xi32>
        %jit3A_481 = arith.constant 0 : i32
        %jit3A_482 = arith.constant 16777215 : i32
        %max3A_483 = vector.broadcast %jit3A_481 : i32 to vector<16xi32>
        %max3A_484 = arith.maxsi %max3A_483, %add3A_480 : vector<16xi32>
        %min3A_485 = vector.broadcast %jit3A_482 : i32 to vector<16xi32>
        %min3A_486 = arith.minsi %min3A_485, %max3A_484 : vector<16xi32>
        %and3A_487 = arith.constant 31 : i32
        %and3A_488 = vector.broadcast %and3A_487 : i32 to vector<16xi32>
        %and3A_489 = arith.andi %min3A_486, %and3A_488 : vector<16xi32>
        %convert_element_type3A_490 = arith.extui %and3A_472 : vector<16xi1> to vector<16xi32>
        %shift_left3A_491 = arith.constant 5 : i32
        %shift_left3A_492 = vector.broadcast %shift_left3A_491 : i32 to vector<16xi32>
        %shift_left3A_493 = arith.shli %convert_element_type3A_490, %shift_left3A_492 : vector<16xi32>
        %or3A_494 = arith.ori %and3A_489, %shift_left3A_493 : vector<16xi32>
        %shift_right_arithmetic3A_495 = arith.constant 5 : i32
        %shift_right_arithmetic3A_496 = vector.broadcast %shift_right_arithmetic3A_495 : i32 to vector<16xi32>
        %shift_right_arithmetic3A_497 = arith.shrsi %min3A_486, %shift_right_arithmetic3A_496 : vector<16xi32>
        %swap3A_498 = arith.index_cast %add3A_64 : i32 to index
        %swap3A_499 = arith.constant 64 : index
        %swap3A_500 = tpu.vector_load %arg12[%swap3A_498, %swap3A_499] {strides = array<i32>} : memref<64x128xi32, #tpu.memory_space<vmem>>, vector<16xi32>,
        tpu.vector_store %arg12[%swap3A_498, %swap3A_499], %shift_right_arithmetic3A_497 {strides = array<i32>} : memref<64x128xi32, #tpu.memory_space<vmem>>, vector<16xi32>,
        %swap3A_501 = arith.index_cast %add3A_416 : i32 to index
        %swap3A_502 = tpu.vector_load %arg13[%swap3A_501] {strides = array<i32>} : memref<8192xi32, #tpu.memory_space<vmem>>, vector<16xi32>,
        tpu.vector_store %arg13[%swap3A_501], %or3A_494 {strides = array<i32>} : memref<8192xi32, #tpu.memory_space<vmem>>, vector<16xi32>,
        %mul3A_503 = arith.constant 128 : i32
        %mul3A_504 = arith.muli %add3A_64, %mul3A_503 : i32
        %add3A_505 = arith.constant 80 : i32
        %add3A_506 = arith.addi %mul3A_504, %add3A_505 : i32
        %get3A_507 = arith.index_cast %add3A_506 : i32 to index
        %get3A_508 = tpu.vector_load %arg9[%get3A_507] {strides = array<i32>} : memref<8192xf32, #tpu.memory_space<vmem>>, vector<16xf32>,
        %get3A_509 = arith.index_cast %add3A_506 : i32 to index
        %get3A_510 = tpu.vector_load %arg10[%get3A_509] {strides = array<i32>} : memref<8192xf32, #tpu.memory_space<vmem>>, vector<16xf32>,
        %get3A_511 = arith.index_cast %add3A_506 : i32 to index
        %get3A_512 = tpu.vector_load %arg11[%get3A_511] {strides = array<i32>} : memref<8192xf32, #tpu.memory_space<vmem>>, vector<16xf32>,
        %mul3A_513 = arith.mulf %get3A_508, %get3A_5 : vector<16xf32>
        %add3A_514 = arith.addf %mul3A_513, %get3A_11 : vector<16xf32>
        %add3A_515 = arith.constant 0x4B000000 : f32
        %add3A_516 = vector.broadcast %add3A_515 : f32 to vector<16xf32>
        %add3A_517 = arith.addf %add3A_514, %add3A_516 : vector<16xf32>
        %sub3A_518 = arith.constant 0x4B000000 : f32
        %sub3A_519 = vector.broadcast %sub3A_518 : f32 to vector<16xf32>
        %sub3A_520 = arith.subf %add3A_517, %sub3A_519 : vector<16xf32>
        %mul3A_521 = arith.mulf %get3A_510, %get3A_7 : vector<16xf32>
        %add3A_522 = arith.addf %mul3A_521, %get3A_13 : vector<16xf32>
        %add3A_523 = arith.constant 0x4B000000 : f32
        %add3A_524 = vector.broadcast %add3A_523 : f32 to vector<16xf32>
        %add3A_525 = arith.addf %add3A_522, %add3A_524 : vector<16xf32>
        %sub3A_526 = arith.constant 0x4B000000 : f32
        %sub3A_527 = vector.broadcast %sub3A_526 : f32 to vector<16xf32>
        %sub3A_528 = arith.subf %add3A_525, %sub3A_527 : vector<16xf32>
        %mul3A_529 = arith.mulf %get3A_512, %get3A_9 : vector<16xf32>
        %add3A_530 = arith.addf %mul3A_529, %get3A_15 : vector<16xf32>
        %add3A_531 = arith.constant 0x4B000000 : f32
        %add3A_532 = vector.broadcast %add3A_531 : f32 to vector<16xf32>
        %add3A_533 = arith.addf %add3A_530, %add3A_532 : vector<16xf32>
        %sub3A_534 = arith.constant 0x4B000000 : f32
        %sub3A_535 = vector.broadcast %sub3A_534 : f32 to vector<16xf32>
        %sub3A_536 = arith.subf %add3A_533, %sub3A_535 : vector<16xf32>
        %convert_element_type3A_537 = arith.fptosi %sub3A_520 : vector<16xf32> to vector<16xi32>
        %convert_element_type3A_538 = arith.fptosi %sub3A_528 : vector<16xf32> to vector<16xi32>
        %convert_element_type3A_539 = arith.fptosi %sub3A_536 : vector<16xf32> to vector<16xi32>
        %ge3A_540 = arith.constant 0 : i32
        %ge3A_541 = vector.broadcast %ge3A_540 : i32 to vector<16xi32>
        %ge3A_542 = arith.cmpi sge, %convert_element_type3A_537, %ge3A_541 : vector<16xi32>
        %lt3A_543 = arith.constant 256 : i32
        %lt3A_544 = vector.broadcast %lt3A_543 : i32 to vector<16xi32>
        %lt3A_545 = arith.cmpi slt, %convert_element_type3A_537, %lt3A_544 : vector<16xi32>
        %and3A_546 = arith.andi %ge3A_542, %lt3A_545 : vector<16xi1>
        %ge3A_547 = arith.constant 0 : i32
        %ge3A_548 = vector.broadcast %ge3A_547 : i32 to vector<16xi32>
        %ge3A_549 = arith.cmpi sge, %convert_element_type3A_538, %ge3A_548 : vector<16xi32>
        %and3A_550 = arith.andi %and3A_546, %ge3A_549 : vector<16xi1>
        %lt3A_551 = arith.constant 256 : i32
        %lt3A_552 = vector.broadcast %lt3A_551 : i32 to vector<16xi32>
        %lt3A_553 = arith.cmpi slt, %convert_element_type3A_538, %lt3A_552 : vector<16xi32>
        %and3A_554 = arith.andi %and3A_550, %lt3A_553 : vector<16xi1>
        %ge3A_555 = arith.constant 0 : i32
        %ge3A_556 = vector.broadcast %ge3A_555 : i32 to vector<16xi32>
        %ge3A_557 = arith.cmpi sge, %convert_element_type3A_539, %ge3A_556 : vector<16xi32>
        %and3A_558 = arith.andi %and3A_554, %ge3A_557 : vector<16xi1>
        %lt3A_559 = arith.constant 256 : i32
        %lt3A_560 = vector.broadcast %lt3A_559 : i32 to vector<16xi32>
        %lt3A_561 = arith.cmpi slt, %convert_element_type3A_539, %lt3A_560 : vector<16xi32>
        %and3A_562 = arith.andi %and3A_558, %lt3A_561 : vector<16xi1>
        %mul3A_563 = arith.constant 65536 : i32
        %mul3A_564 = vector.broadcast %mul3A_563 : i32 to vector<16xi32>
        %mul3A_565 = arith.muli %convert_element_type3A_537, %mul3A_564 : vector<16xi32>
        %mul3A_566 = arith.constant 256 : i32
        %mul3A_567 = vector.broadcast %mul3A_566 : i32 to vector<16xi32>
        %mul3A_568 = arith.muli %convert_element_type3A_538, %mul3A_567 : vector<16xi32>
        %add3A_569 = arith.addi %mul3A_565, %mul3A_568 : vector<16xi32>
        %add3A_570 = arith.addi %add3A_569, %convert_element_type3A_539 : vector<16xi32>
        %jit3A_571 = arith.constant 0 : i32
        %jit3A_572 = arith.constant 16777215 : i32
        %max3A_573 = vector.broadcast %jit3A_571 : i32 to vector<16xi32>
        %max3A_574 = arith.maxsi %max3A_573, %add3A_570 : vector<16xi32>
        %min3A_575 = vector.broadcast %jit3A_572 : i32 to vector<16xi32>
        %min3A_576 = arith.minsi %min3A_575, %max3A_574 : vector<16xi32>
        %and3A_577 = arith.constant 31 : i32
        %and3A_578 = vector.broadcast %and3A_577 : i32 to vector<16xi32>
        %and3A_579 = arith.andi %min3A_576, %and3A_578 : vector<16xi32>
        %convert_element_type3A_580 = arith.extui %and3A_562 : vector<16xi1> to vector<16xi32>
        %shift_left3A_581 = arith.constant 5 : i32
        %shift_left3A_582 = vector.broadcast %shift_left3A_581 : i32 to vector<16xi32>
        %shift_left3A_583 = arith.shli %convert_element_type3A_580, %shift_left3A_582 : vector<16xi32>
        %or3A_584 = arith.ori %and3A_579, %shift_left3A_583 : vector<16xi32>
        %shift_right_arithmetic3A_585 = arith.constant 5 : i32
        %shift_right_arithmetic3A_586 = vector.broadcast %shift_right_arithmetic3A_585 : i32 to vector<16xi32>
        %shift_right_arithmetic3A_587 = arith.shrsi %min3A_576, %shift_right_arithmetic3A_586 : vector<16xi32>
        %swap3A_588 = arith.index_cast %add3A_64 : i32 to index
        %swap3A_589 = arith.constant 80 : index
        %swap3A_590 = tpu.vector_load %arg12[%swap3A_588, %swap3A_589] {strides = array<i32>} : memref<64x128xi32, #tpu.memory_space<vmem>>, vector<16xi32>,
        tpu.vector_store %arg12[%swap3A_588, %swap3A_589], %shift_right_arithmetic3A_587 {strides = array<i32>} : memref<64x128xi32, #tpu.memory_space<vmem>>, vector<16xi32>,
        %swap3A_591 = arith.index_cast %add3A_506 : i32 to index
        %swap3A_592 = tpu.vector_load %arg13[%swap3A_591] {strides = array<i32>} : memref<8192xi32, #tpu.memory_space<vmem>>, vector<16xi32>,
        tpu.vector_store %arg13[%swap3A_591], %or3A_584 {strides = array<i32>} : memref<8192xi32, #tpu.memory_space<vmem>>, vector<16xi32>,
        %mul3A_593 = arith.constant 128 : i32
        %mul3A_594 = arith.muli %add3A_64, %mul3A_593 : i32
        %add3A_595 = arith.constant 96 : i32
        %add3A_596 = arith.addi %mul3A_594, %add3A_595 : i32
        %get3A_597 = arith.index_cast %add3A_596 : i32 to index
        %get3A_598 = tpu.vector_load %arg9[%get3A_597] {strides = array<i32>} : memref<8192xf32, #tpu.memory_space<vmem>>, vector<16xf32>,
        %get3A_599 = arith.index_cast %add3A_596 : i32 to index
        %get3A_600 = tpu.vector_load %arg10[%get3A_599] {strides = array<i32>} : memref<8192xf32, #tpu.memory_space<vmem>>, vector<16xf32>,
        %get3A_601 = arith.index_cast %add3A_596 : i32 to index
        %get3A_602 = tpu.vector_load %arg11[%get3A_601] {strides = array<i32>} : memref<8192xf32, #tpu.memory_space<vmem>>, vector<16xf32>,
        %mul3A_603 = arith.mulf %get3A_598, %get3A_5 : vector<16xf32>
        %add3A_604 = arith.addf %mul3A_603, %get3A_11 : vector<16xf32>
        %add3A_605 = arith.constant 0x4B000000 : f32
        %add3A_606 = vector.broadcast %add3A_605 : f32 to vector<16xf32>
        %add3A_607 = arith.addf %add3A_604, %add3A_606 : vector<16xf32>
        %sub3A_608 = arith.constant 0x4B000000 : f32
        %sub3A_609 = vector.broadcast %sub3A_608 : f32 to vector<16xf32>
        %sub3A_610 = arith.subf %add3A_607, %sub3A_609 : vector<16xf32>
        %mul3A_611 = arith.mulf %get3A_600, %get3A_7 : vector<16xf32>
        %add3A_612 = arith.addf %mul3A_611, %get3A_13 : vector<16xf32>
        %add3A_613 = arith.constant 0x4B000000 : f32
        %add3A_614 = vector.broadcast %add3A_613 : f32 to vector<16xf32>
        %add3A_615 = arith.addf %add3A_612, %add3A_614 : vector<16xf32>
        %sub3A_616 = arith.constant 0x4B000000 : f32
        %sub3A_617 = vector.broadcast %sub3A_616 : f32 to vector<16xf32>
        %sub3A_618 = arith.subf %add3A_615, %sub3A_617 : vector<16xf32>
        %mul3A_619 = arith.mulf %get3A_602, %get3A_9 : vector<16xf32>
        %add3A_620 = arith.addf %mul3A_619, %get3A_15 : vector<16xf32>
        %add3A_621 = arith.constant 0x4B000000 : f32
        %add3A_622 = vector.broadcast %add3A_621 : f32 to vector<16xf32>
        %add3A_623 = arith.addf %add3A_620, %add3A_622 : vector<16xf32>
        %sub3A_624 = arith.constant 0x4B000000 : f32
        %sub3A_625 = vector.broadcast %sub3A_624 : f32 to vector<16xf32>
        %sub3A_626 = arith.subf %add3A_623, %sub3A_625 : vector<16xf32>
        %convert_element_type3A_627 = arith.fptosi %sub3A_610 : vector<16xf32> to vector<16xi32>
        %convert_element_type3A_628 = arith.fptosi %sub3A_618 : vector<16xf32> to vector<16xi32>
        %convert_element_type3A_629 = arith.fptosi %sub3A_626 : vector<16xf32> to vector<16xi32>
        %ge3A_630 = arith.constant 0 : i32
        %ge3A_631 = vector.broadcast %ge3A_630 : i32 to vector<16xi32>
        %ge3A_632 = arith.cmpi sge, %convert_element_type3A_627, %ge3A_631 : vector<16xi32>
        %lt3A_633 = arith.constant 256 : i32
        %lt3A_634 = vector.broadcast %lt3A_633 : i32 to vector<16xi32>
        %lt3A_635 = arith.cmpi slt, %convert_element_type3A_627, %lt3A_634 : vector<16xi32>
        %and3A_636 = arith.andi %ge3A_632, %lt3A_635 : vector<16xi1>
        %ge3A_637 = arith.constant 0 : i32
        %ge3A_638 = vector.broadcast %ge3A_637 : i32 to vector<16xi32>
        %ge3A_639 = arith.cmpi sge, %convert_element_type3A_628, %ge3A_638 : vector<16xi32>
        %and3A_640 = arith.andi %and3A_636, %ge3A_639 : vector<16xi1>
        %lt3A_641 = arith.constant 256 : i32
        %lt3A_642 = vector.broadcast %lt3A_641 : i32 to vector<16xi32>
        %lt3A_643 = arith.cmpi slt, %convert_element_type3A_628, %lt3A_642 : vector<16xi32>
        %and3A_644 = arith.andi %and3A_640, %lt3A_643 : vector<16xi1>
        %ge3A_645 = arith.constant 0 : i32
        %ge3A_646 = vector.broadcast %ge3A_645 : i32 to vector<16xi32>
        %ge3A_647 = arith.cmpi sge, %convert_element_type3A_629, %ge3A_646 : vector<16xi32>
        %and3A_648 = arith.andi %and3A_644, %ge3A_647 : vector<16xi1>
        %lt3A_649 = arith.constant 256 : i32
        %lt3A_650 = vector.broadcast %lt3A_649 : i32 to vector<16xi32>
        %lt3A_651 = arith.cmpi slt, %convert_element_type3A_629, %lt3A_650 : vector<16xi32>
        %and3A_652 = arith.andi %and3A_648, %lt3A_651 : vector<16xi1>
        %mul3A_653 = arith.constant 65536 : i32
        %mul3A_654 = vector.broadcast %mul3A_653 : i32 to vector<16xi32>
        %mul3A_655 = arith.muli %convert_element_type3A_627, %mul3A_654 : vector<16xi32>
        %mul3A_656 = arith.constant 256 : i32
        %mul3A_657 = vector.broadcast %mul3A_656 : i32 to vector<16xi32>
        %mul3A_658 = arith.muli %convert_element_type3A_628, %mul3A_657 : vector<16xi32>
        %add3A_659 = arith.addi %mul3A_655, %mul3A_658 : vector<16xi32>
        %add3A_660 = arith.addi %add3A_659, %convert_element_type3A_629 : vector<16xi32>
        %jit3A_661 = arith.constant 0 : i32
        %jit3A_662 = arith.constant 16777215 : i32
        %max3A_663 = vector.broadcast %jit3A_661 : i32 to vector<16xi32>
        %max3A_664 = arith.maxsi %max3A_663, %add3A_660 : vector<16xi32>
        %min3A_665 = vector.broadcast %jit3A_662 : i32 to vector<16xi32>
        %min3A_666 = arith.minsi %min3A_665, %max3A_664 : vector<16xi32>
        %and3A_667 = arith.constant 31 : i32
        %and3A_668 = vector.broadcast %and3A_667 : i32 to vector<16xi32>
        %and3A_669 = arith.andi %min3A_666, %and3A_668 : vector<16xi32>
        %convert_element_type3A_670 = arith.extui %and3A_652 : vector<16xi1> to vector<16xi32>
        %shift_left3A_671 = arith.constant 5 : i32
        %shift_left3A_672 = vector.broadcast %shift_left3A_671 : i32 to vector<16xi32>
        %shift_left3A_673 = arith.shli %convert_element_type3A_670, %shift_left3A_672 : vector<16xi32>
        %or3A_674 = arith.ori %and3A_669, %shift_left3A_673 : vector<16xi32>
        %shift_right_arithmetic3A_675 = arith.constant 5 : i32
        %shift_right_arithmetic3A_676 = vector.broadcast %shift_right_arithmetic3A_675 : i32 to vector<16xi32>
        %shift_right_arithmetic3A_677 = arith.shrsi %min3A_666, %shift_right_arithmetic3A_676 : vector<16xi32>
        %swap3A_678 = arith.index_cast %add3A_64 : i32 to index
        %swap3A_679 = arith.constant 96 : index
        %swap3A_680 = tpu.vector_load %arg12[%swap3A_678, %swap3A_679] {strides = array<i32>} : memref<64x128xi32, #tpu.memory_space<vmem>>, vector<16xi32>,
        tpu.vector_store %arg12[%swap3A_678, %swap3A_679], %shift_right_arithmetic3A_677 {strides = array<i32>} : memref<64x128xi32, #tpu.memory_space<vmem>>, vector<16xi32>,
        %swap3A_681 = arith.index_cast %add3A_596 : i32 to index
        %swap3A_682 = tpu.vector_load %arg13[%swap3A_681] {strides = array<i32>} : memref<8192xi32, #tpu.memory_space<vmem>>, vector<16xi32>,
        tpu.vector_store %arg13[%swap3A_681], %or3A_674 {strides = array<i32>} : memref<8192xi32, #tpu.memory_space<vmem>>, vector<16xi32>,
        %mul3A_683 = arith.constant 128 : i32
        %mul3A_684 = arith.muli %add3A_64, %mul3A_683 : i32
        %add3A_685 = arith.constant 112 : i32
        %add3A_686 = arith.addi %mul3A_684, %add3A_685 : i32
        %get3A_687 = arith.index_cast %add3A_686 : i32 to index
        %get3A_688 = tpu.vector_load %arg9[%get3A_687] {strides = array<i32>} : memref<8192xf32, #tpu.memory_space<vmem>>, vector<16xf32>,
        %get3A_689 = arith.index_cast %add3A_686 : i32 to index
        %get3A_690 = tpu.vector_load %arg10[%get3A_689] {strides = array<i32>} : memref<8192xf32, #tpu.memory_space<vmem>>, vector<16xf32>,
        %get3A_691 = arith.index_cast %add3A_686 : i32 to index
        %get3A_692 = tpu.vector_load %arg11[%get3A_691] {strides = array<i32>} : memref<8192xf32, #tpu.memory_space<vmem>>, vector<16xf32>,
        %mul3A_693 = arith.mulf %get3A_688, %get3A_5 : vector<16xf32>
        %add3A_694 = arith.addf %mul3A_693, %get3A_11 : vector<16xf32>
        %add3A_695 = arith.constant 0x4B000000 : f32
        %add3A_696 = vector.broadcast %add3A_695 : f32 to vector<16xf32>
        %add3A_697 = arith.addf %add3A_694, %add3A_696 : vector<16xf32>
        %sub3A_698 = arith.constant 0x4B000000 : f32
        %sub3A_699 = vector.broadcast %sub3A_698 : f32 to vector<16xf32>
        %sub3A_700 = arith.subf %add3A_697, %sub3A_699 : vector<16xf32>
        %mul3A_701 = arith.mulf %get3A_690, %get3A_7 : vector<16xf32>
        %add3A_702 = arith.addf %mul3A_701, %get3A_13 : vector<16xf32>
        %add3A_703 = arith.constant 0x4B000000 : f32
        %add3A_704 = vector.broadcast %add3A_703 : f32 to vector<16xf32>
        %add3A_705 = arith.addf %add3A_702, %add3A_704 : vector<16xf32>
        %sub3A_706 = arith.constant 0x4B000000 : f32
        %sub3A_707 = vector.broadcast %sub3A_706 : f32 to vector<16xf32>
        %sub3A_708 = arith.subf %add3A_705, %sub3A_707 : vector<16xf32>
        %mul3A_709 = arith.mulf %get3A_692, %get3A_9 : vector<16xf32>
        %add3A_710 = arith.addf %mul3A_709, %get3A_15 : vector<16xf32>
        %add3A_711 = arith.constant 0x4B000000 : f32
        %add3A_712 = vector.broadcast %add3A_711 : f32 to vector<16xf32>
        %add3A_713 = arith.addf %add3A_710, %add3A_712 : vector<16xf32>
        %sub3A_714 = arith.constant 0x4B000000 : f32
        %sub3A_715 = vector.broadcast %sub3A_714 : f32 to vector<16xf32>
        %sub3A_716 = arith.subf %add3A_713, %sub3A_715 : vector<16xf32>
        %convert_element_type3A_717 = arith.fptosi %sub3A_700 : vector<16xf32> to vector<16xi32>
        %convert_element_type3A_718 = arith.fptosi %sub3A_708 : vector<16xf32> to vector<16xi32>
        %convert_element_type3A_719 = arith.fptosi %sub3A_716 : vector<16xf32> to vector<16xi32>
        %ge3A_720 = arith.constant 0 : i32
        %ge3A_721 = vector.broadcast %ge3A_720 : i32 to vector<16xi32>
        %ge3A_722 = arith.cmpi sge, %convert_element_type3A_717, %ge3A_721 : vector<16xi32>
        %lt3A_723 = arith.constant 256 : i32
        %lt3A_724 = vector.broadcast %lt3A_723 : i32 to vector<16xi32>
        %lt3A_725 = arith.cmpi slt, %convert_element_type3A_717, %lt3A_724 : vector<16xi32>
        %and3A_726 = arith.andi %ge3A_722, %lt3A_725 : vector<16xi1>
        %ge3A_727 = arith.constant 0 : i32
        %ge3A_728 = vector.broadcast %ge3A_727 : i32 to vector<16xi32>
        %ge3A_729 = arith.cmpi sge, %convert_element_type3A_718, %ge3A_728 : vector<16xi32>
        %and3A_730 = arith.andi %and3A_726, %ge3A_729 : vector<16xi1>
        %lt3A_731 = arith.constant 256 : i32
        %lt3A_732 = vector.broadcast %lt3A_731 : i32 to vector<16xi32>
        %lt3A_733 = arith.cmpi slt, %convert_element_type3A_718, %lt3A_732 : vector<16xi32>
        %and3A_734 = arith.andi %and3A_730, %lt3A_733 : vector<16xi1>
        %ge3A_735 = arith.constant 0 : i32
        %ge3A_736 = vector.broadcast %ge3A_735 : i32 to vector<16xi32>
        %ge3A_737 = arith.cmpi sge, %convert_element_type3A_719, %ge3A_736 : vector<16xi32>
        %and3A_738 = arith.andi %and3A_734, %ge3A_737 : vector<16xi1>
        %lt3A_739 = arith.constant 256 : i32
        %lt3A_740 = vector.broadcast %lt3A_739 : i32 to vector<16xi32>
        %lt3A_741 = arith.cmpi slt, %convert_element_type3A_719, %lt3A_740 : vector<16xi32>
        %and3A_742 = arith.andi %and3A_738, %lt3A_741 : vector<16xi1>
        %mul3A_743 = arith.constant 65536 : i32
        %mul3A_744 = vector.broadcast %mul3A_743 : i32 to vector<16xi32>
        %mul3A_745 = arith.muli %convert_element_type3A_717, %mul3A_744 : vector<16xi32>
        %mul3A_746 = arith.constant 256 : i32
        %mul3A_747 = vector.broadcast %mul3A_746 : i32 to vector<16xi32>
        %mul3A_748 = arith.muli %convert_element_type3A_718, %mul3A_747 : vector<16xi32>
        %add3A_749 = arith.addi %mul3A_745, %mul3A_748 : vector<16xi32>
        %add3A_750 = arith.addi %add3A_749, %convert_element_type3A_719 : vector<16xi32>
        %jit3A_751 = arith.constant 0 : i32
        %jit3A_752 = arith.constant 16777215 : i32
        %max3A_753 = vector.broadcast %jit3A_751 : i32 to vector<16xi32>
        %max3A_754 = arith.maxsi %max3A_753, %add3A_750 : vector<16xi32>
        %min3A_755 = vector.broadcast %jit3A_752 : i32 to vector<16xi32>
        %min3A_756 = arith.minsi %min3A_755, %max3A_754 : vector<16xi32>
        %and3A_757 = arith.constant 31 : i32
        %and3A_758 = vector.broadcast %and3A_757 : i32 to vector<16xi32>
        %and3A_759 = arith.andi %min3A_756, %and3A_758 : vector<16xi32>
        %convert_element_type3A_760 = arith.extui %and3A_742 : vector<16xi1> to vector<16xi32>
        %shift_left3A_761 = arith.constant 5 : i32
        %shift_left3A_762 = vector.broadcast %shift_left3A_761 : i32 to vector<16xi32>
        %shift_left3A_763 = arith.shli %convert_element_type3A_760, %shift_left3A_762 : vector<16xi32>
        %or3A_764 = arith.ori %and3A_759, %shift_left3A_763 : vector<16xi32>
        %shift_right_arithmetic3A_765 = arith.constant 5 : i32
        %shift_right_arithmetic3A_766 = vector.broadcast %shift_right_arithmetic3A_765 : i32 to vector<16xi32>
        %shift_right_arithmetic3A_767 = arith.shrsi %min3A_756, %shift_right_arithmetic3A_766 : vector<16xi32>
        %swap3A_768 = arith.index_cast %add3A_64 : i32 to index
        %swap3A_769 = arith.constant 112 : index
        %swap3A_770 = tpu.vector_load %arg12[%swap3A_768, %swap3A_769] {strides = array<i32>} : memref<64x128xi32, #tpu.memory_space<vmem>>, vector<16xi32>,
        tpu.vector_store %arg12[%swap3A_768, %swap3A_769], %shift_right_arithmetic3A_767 {strides = array<i32>} : memref<64x128xi32, #tpu.memory_space<vmem>>, vector<16xi32>,
        %swap3A_771 = arith.index_cast %add3A_686 : i32 to index
        %swap3A_772 = tpu.vector_load %arg13[%swap3A_771] {strides = array<i32>} : memref<8192xi32, #tpu.memory_space<vmem>>, vector<16xi32>,
        tpu.vector_store %arg13[%swap3A_771], %or3A_764 {strides = array<i32>} : memref<8192xi32, #tpu.memory_space<vmem>>, vector<16xi32>,
      }
      %scan3A_45 = arith.constant 64 : i32
      %scan3A_46 = arith.constant 0 : i32
      %scan3A_47 = arith.constant 8 : i32
      %scan3A_48 = arith.addi %scan3A_46, %scan3A_47 : i32
      %scan3A_49 = arith.constant 1 : i32
      scf.for %scan3A_60 = %scan3A_46 to %scan3A_48 step %scan3A_49  : i32 {
        %mul3A_61 = arith.constant 8 : i32
        %mul3A_62 = arith.muli %scan3A_60, %mul3A_61 : i32
        %add3A_63 = arith.constant 0 : i32
        %add3A_64 = arith.addi %add3A_63, %mul3A_62 : i32
        %add3A_65 = arith.constant 0 : i32
        %add3A_66 = arith.addi %add3A_64, %add3A_65 : i32
        %mul3A_67 = arith.constant 128 : i32
        %mul3A_68 = arith.muli %add3A_66, %mul3A_67 : i32
        %dma_start3A_69 = tpu.memref_slice %arg14[%mul3A_68] : memref<8192xi32, #tpu.memory_space<vmem>> -> memref<128xi32, #tpu.memory_space<vmem>>
        %dma_start3A_70 = arith.constant 0 : i32
        %dma_start3A_71 = tpu.memref_slice %arg12[%add3A_66, %dma_start3A_70] : memref<64x128xi32, #tpu.memory_space<vmem>> -> memref<1x128xi32, #tpu.memory_space<vmem>>
        %dma_start3A_72 = tpu.memref_squeeze %dma_start3A_71 : memref<1x128xi32, #tpu.memory_space<vmem>> -> memref<128xi32, #tpu.memory_space<vmem>>
        %dma_start3A_73 = arith.constant 0 : i32
        %dma_start3A_74 = tpu.memref_slice %arg16[%dma_start3A_73] : memref<524288xi32, #tpu.memory_space<vmem_shared>> -> memref<524288xi32, #tpu.memory_space<vmem_shared>>
        tpu.enqueue_indirect_dma source(%dma_start3A_74 : memref<524288xi32, #tpu.memory_space<vmem_shared>>) target(%dma_start3A_69 : memref<128xi32, #tpu.memory_space<vmem>>) offsets(%dma_start3A_72 : memref<128xi32, #tpu.memory_space<vmem>>) semaphore(%arg17 : memref<!tpu.dma_semaphore, #tpu.memory_space<semaphore_mem>>)
        %add3A_75 = arith.constant 1 : i32
        %add3A_76 = arith.addi %add3A_64, %add3A_75 : i32
        %mul3A_77 = arith.constant 128 : i32
        %mul3A_78 = arith.muli %add3A_76, %mul3A_77 : i32
        %dma_start3A_79 = tpu.memref_slice %arg14[%mul3A_78] : memref<8192xi32, #tpu.memory_space<vmem>> -> memref<128xi32, #tpu.memory_space<vmem>>
        %dma_start3A_80 = arith.constant 0 : i32
        %dma_start3A_81 = tpu.memref_slice %arg12[%add3A_76, %dma_start3A_80] : memref<64x128xi32, #tpu.memory_space<vmem>> -> memref<1x128xi32, #tpu.memory_space<vmem>>
        %dma_start3A_82 = tpu.memref_squeeze %dma_start3A_81 : memref<1x128xi32, #tpu.memory_space<vmem>> -> memref<128xi32, #tpu.memory_space<vmem>>
        %dma_start3A_83 = arith.constant 0 : i32
        %dma_start3A_84 = tpu.memref_slice %arg16[%dma_start3A_83] : memref<524288xi32, #tpu.memory_space<vmem_shared>> -> memref<524288xi32, #tpu.memory_space<vmem_shared>>
        tpu.enqueue_indirect_dma source(%dma_start3A_84 : memref<524288xi32, #tpu.memory_space<vmem_shared>>) target(%dma_start3A_79 : memref<128xi32, #tpu.memory_space<vmem>>) offsets(%dma_start3A_82 : memref<128xi32, #tpu.memory_space<vmem>>) semaphore(%arg17 : memref<!tpu.dma_semaphore, #tpu.memory_space<semaphore_mem>>)
        %add3A_85 = arith.constant 2 : i32
        %add3A_86 = arith.addi %add3A_64, %add3A_85 : i32
        %mul3A_87 = arith.constant 128 : i32
        %mul3A_88 = arith.muli %add3A_86, %mul3A_87 : i32
        %dma_start3A_89 = tpu.memref_slice %arg14[%mul3A_88] : memref<8192xi32, #tpu.memory_space<vmem>> -> memref<128xi32, #tpu.memory_space<vmem>>
        %dma_start3A_90 = arith.constant 0 : i32
        %dma_start3A_91 = tpu.memref_slice %arg12[%add3A_86, %dma_start3A_90] : memref<64x128xi32, #tpu.memory_space<vmem>> -> memref<1x128xi32, #tpu.memory_space<vmem>>
        %dma_start3A_92 = tpu.memref_squeeze %dma_start3A_91 : memref<1x128xi32, #tpu.memory_space<vmem>> -> memref<128xi32, #tpu.memory_space<vmem>>
        %dma_start3A_93 = arith.constant 0 : i32
        %dma_start3A_94 = tpu.memref_slice %arg16[%dma_start3A_93] : memref<524288xi32, #tpu.memory_space<vmem_shared>> -> memref<524288xi32, #tpu.memory_space<vmem_shared>>
        tpu.enqueue_indirect_dma source(%dma_start3A_94 : memref<524288xi32, #tpu.memory_space<vmem_shared>>) target(%dma_start3A_89 : memref<128xi32, #tpu.memory_space<vmem>>) offsets(%dma_start3A_92 : memref<128xi32, #tpu.memory_space<vmem>>) semaphore(%arg17 : memref<!tpu.dma_semaphore, #tpu.memory_space<semaphore_mem>>)
        %add3A_95 = arith.constant 3 : i32
        %add3A_96 = arith.addi %add3A_64, %add3A_95 : i32
        %mul3A_97 = arith.constant 128 : i32
        %mul3A_98 = arith.muli %add3A_96, %mul3A_97 : i32
        %dma_start3A_99 = tpu.memref_slice %arg14[%mul3A_98] : memref<8192xi32, #tpu.memory_space<vmem>> -> memref<128xi32, #tpu.memory_space<vmem>>
        %dma_start3A_100 = arith.constant 0 : i32
        %dma_start3A_101 = tpu.memref_slice %arg12[%add3A_96, %dma_start3A_100] : memref<64x128xi32, #tpu.memory_space<vmem>> -> memref<1x128xi32, #tpu.memory_space<vmem>>
        %dma_start3A_102 = tpu.memref_squeeze %dma_start3A_101 : memref<1x128xi32, #tpu.memory_space<vmem>> -> memref<128xi32, #tpu.memory_space<vmem>>
        %dma_start3A_103 = arith.constant 0 : i32
        %dma_start3A_104 = tpu.memref_slice %arg16[%dma_start3A_103] : memref<524288xi32, #tpu.memory_space<vmem_shared>> -> memref<524288xi32, #tpu.memory_space<vmem_shared>>
        tpu.enqueue_indirect_dma source(%dma_start3A_104 : memref<524288xi32, #tpu.memory_space<vmem_shared>>) target(%dma_start3A_99 : memref<128xi32, #tpu.memory_space<vmem>>) offsets(%dma_start3A_102 : memref<128xi32, #tpu.memory_space<vmem>>) semaphore(%arg17 : memref<!tpu.dma_semaphore, #tpu.memory_space<semaphore_mem>>)
        %add3A_105 = arith.constant 4 : i32
        %add3A_106 = arith.addi %add3A_64, %add3A_105 : i32
        %mul3A_107 = arith.constant 128 : i32
        %mul3A_108 = arith.muli %add3A_106, %mul3A_107 : i32
        %dma_start3A_109 = tpu.memref_slice %arg14[%mul3A_108] : memref<8192xi32, #tpu.memory_space<vmem>> -> memref<128xi32, #tpu.memory_space<vmem>>
        %dma_start3A_110 = arith.constant 0 : i32
        %dma_start3A_111 = tpu.memref_slice %arg12[%add3A_106, %dma_start3A_110] : memref<64x128xi32, #tpu.memory_space<vmem>> -> memref<1x128xi32, #tpu.memory_space<vmem>>
        %dma_start3A_112 = tpu.memref_squeeze %dma_start3A_111 : memref<1x128xi32, #tpu.memory_space<vmem>> -> memref<128xi32, #tpu.memory_space<vmem>>
        %dma_start3A_113 = arith.constant 0 : i32
        %dma_start3A_114 = tpu.memref_slice %arg16[%dma_start3A_113] : memref<524288xi32, #tpu.memory_space<vmem_shared>> -> memref<524288xi32, #tpu.memory_space<vmem_shared>>
        tpu.enqueue_indirect_dma source(%dma_start3A_114 : memref<524288xi32, #tpu.memory_space<vmem_shared>>) target(%dma_start3A_109 : memref<128xi32, #tpu.memory_space<vmem>>) offsets(%dma_start3A_112 : memref<128xi32, #tpu.memory_space<vmem>>) semaphore(%arg17 : memref<!tpu.dma_semaphore, #tpu.memory_space<semaphore_mem>>)
        %add3A_115 = arith.constant 5 : i32
        %add3A_116 = arith.addi %add3A_64, %add3A_115 : i32
        %mul3A_117 = arith.constant 128 : i32
        %mul3A_118 = arith.muli %add3A_116, %mul3A_117 : i32
        %dma_start3A_119 = tpu.memref_slice %arg14[%mul3A_118] : memref<8192xi32, #tpu.memory_space<vmem>> -> memref<128xi32, #tpu.memory_space<vmem>>
        %dma_start3A_120 = arith.constant 0 : i32
        %dma_start3A_121 = tpu.memref_slice %arg12[%add3A_116, %dma_start3A_120] : memref<64x128xi32, #tpu.memory_space<vmem>> -> memref<1x128xi32, #tpu.memory_space<vmem>>
        %dma_start3A_122 = tpu.memref_squeeze %dma_start3A_121 : memref<1x128xi32, #tpu.memory_space<vmem>> -> memref<128xi32, #tpu.memory_space<vmem>>
        %dma_start3A_123 = arith.constant 0 : i32
        %dma_start3A_124 = tpu.memref_slice %arg16[%dma_start3A_123] : memref<524288xi32, #tpu.memory_space<vmem_shared>> -> memref<524288xi32, #tpu.memory_space<vmem_shared>>
        tpu.enqueue_indirect_dma source(%dma_start3A_124 : memref<524288xi32, #tpu.memory_space<vmem_shared>>) target(%dma_start3A_119 : memref<128xi32, #tpu.memory_space<vmem>>) offsets(%dma_start3A_122 : memref<128xi32, #tpu.memory_space<vmem>>) semaphore(%arg17 : memref<!tpu.dma_semaphore, #tpu.memory_space<semaphore_mem>>)
        %add3A_125 = arith.constant 6 : i32
        %add3A_126 = arith.addi %add3A_64, %add3A_125 : i32
        %mul3A_127 = arith.constant 128 : i32
        %mul3A_128 = arith.muli %add3A_126, %mul3A_127 : i32
        %dma_start3A_129 = tpu.memref_slice %arg14[%mul3A_128] : memref<8192xi32, #tpu.memory_space<vmem>> -> memref<128xi32, #tpu.memory_space<vmem>>
        %dma_start3A_130 = arith.constant 0 : i32
        %dma_start3A_131 = tpu.memref_slice %arg12[%add3A_126, %dma_start3A_130] : memref<64x128xi32, #tpu.memory_space<vmem>> -> memref<1x128xi32, #tpu.memory_space<vmem>>
        %dma_start3A_132 = tpu.memref_squeeze %dma_start3A_131 : memref<1x128xi32, #tpu.memory_space<vmem>> -> memref<128xi32, #tpu.memory_space<vmem>>
        %dma_start3A_133 = arith.constant 0 : i32
        %dma_start3A_134 = tpu.memref_slice %arg16[%dma_start3A_133] : memref<524288xi32, #tpu.memory_space<vmem_shared>> -> memref<524288xi32, #tpu.memory_space<vmem_shared>>
        tpu.enqueue_indirect_dma source(%dma_start3A_134 : memref<524288xi32, #tpu.memory_space<vmem_shared>>) target(%dma_start3A_129 : memref<128xi32, #tpu.memory_space<vmem>>) offsets(%dma_start3A_132 : memref<128xi32, #tpu.memory_space<vmem>>) semaphore(%arg17 : memref<!tpu.dma_semaphore, #tpu.memory_space<semaphore_mem>>)
        %add3A_135 = arith.constant 7 : i32
        %add3A_136 = arith.addi %add3A_64, %add3A_135 : i32
        %mul3A_137 = arith.constant 128 : i32
        %mul3A_138 = arith.muli %add3A_136, %mul3A_137 : i32
        %dma_start3A_139 = tpu.memref_slice %arg14[%mul3A_138] : memref<8192xi32, #tpu.memory_space<vmem>> -> memref<128xi32, #tpu.memory_space<vmem>>
        %dma_start3A_140 = arith.constant 0 : i32
        %dma_start3A_141 = tpu.memref_slice %arg12[%add3A_136, %dma_start3A_140] : memref<64x128xi32, #tpu.memory_space<vmem>> -> memref<1x128xi32, #tpu.memory_space<vmem>>
        %dma_start3A_142 = tpu.memref_squeeze %dma_start3A_141 : memref<1x128xi32, #tpu.memory_space<vmem>> -> memref<128xi32, #tpu.memory_space<vmem>>
        %dma_start3A_143 = arith.constant 0 : i32
        %dma_start3A_144 = tpu.memref_slice %arg16[%dma_start3A_143] : memref<524288xi32, #tpu.memory_space<vmem_shared>> -> memref<524288xi32, #tpu.memory_space<vmem_shared>>
        tpu.enqueue_indirect_dma source(%dma_start3A_144 : memref<524288xi32, #tpu.memory_space<vmem_shared>>) target(%dma_start3A_139 : memref<128xi32, #tpu.memory_space<vmem>>) offsets(%dma_start3A_142 : memref<128xi32, #tpu.memory_space<vmem>>) semaphore(%arg17 : memref<!tpu.dma_semaphore, #tpu.memory_space<semaphore_mem>>)
      }
      %scan3A_50 = arith.constant 8 : i32
      %dma_wait3A_51 = arith.constant 0 : i32
      %dma_wait3A_52 = tpu.memref_slice %arg5[%dma_wait3A_51] : memref<524288xi32, #tpu.memory_space<hbm>> -> memref<8192xi32, #tpu.memory_space<hbm>>
      %dma_wait3A_53 = arith.constant 0 : i32
      %dma_wait3A_54 = tpu.memref_slice %arg5[%dma_wait3A_53] : memref<524288xi32, #tpu.memory_space<hbm>> -> memref<8192xi32, #tpu.memory_space<hbm>>
      tpu.wait_dma2 semaphore(%arg17 : memref<!tpu.dma_semaphore, #tpu.memory_space<semaphore_mem>>) src(%dma_wait3A_54 : memref<8192xi32, #tpu.memory_space<hbm>>) dst(%arg14 : memref<8192xi32, #tpu.memory_space<vmem>>)
      %scan3A_55 = arith.constant 0 : i32
      %scan3A_56 = arith.constant 64 : i32
      %scan3A_57 = arith.addi %scan3A_55, %scan3A_56 : i32
      %scan3A_58 = arith.constant 1 : i32
      scf.for %scan3A_60 = %scan3A_55 to %scan3A_57 step %scan3A_58  : i32 {
        %mul3A_61 = arith.constant 1 : i32
        %mul3A_62 = arith.muli %scan3A_60, %mul3A_61 : i32
        %add3A_63 = arith.constant 0 : i32
        %add3A_64 = arith.addi %add3A_63, %mul3A_62 : i32
        %mul3A_65 = arith.constant 128 : i32
        %mul3A_66 = arith.muli %add3A_64, %mul3A_65 : i32
        %add3A_67 = arith.constant 0 : i32
        %add3A_68 = arith.addi %mul3A_66, %add3A_67 : i32
        %get3A_69 = arith.index_cast %add3A_68 : i32 to index
        %get3A_70 = tpu.vector_load %arg14[%get3A_69] {strides = array<i32>} : memref<8192xi32, #tpu.memory_space<vmem>>, vector<16xi32>,
        %get3A_71 = arith.index_cast %add3A_68 : i32 to index
        %get3A_72 = tpu.vector_load %arg13[%get3A_71] {strides = array<i32>} : memref<8192xi32, #tpu.memory_space<vmem>>, vector<16xi32>,
        %and3A = arith.constant 31 : i32
        %and3A_73 = vector.broadcast %and3A : i32 to vector<16xi32>
        %and3A_74 = arith.andi %get3A_72, %and3A_73 : vector<16xi32>
        %shift_right_arithmetic3A = arith.shrsi %get3A_70, %and3A_74 : vector<16xi32>
        %shift_right_arithmetic3A_75 = arith.constant 5 : i32
        %shift_right_arithmetic3A_76 = vector.broadcast %shift_right_arithmetic3A_75 : i32 to vector<16xi32>
        %shift_right_arithmetic3A_77 = arith.shrsi %get3A_72, %shift_right_arithmetic3A_76 : vector<16xi32>
        %and3A_78 = arith.andi %shift_right_arithmetic3A, %shift_right_arithmetic3A_77 : vector<16xi32>
        %and3A_79 = arith.constant 1 : i32
        %and3A_80 = vector.broadcast %and3A_79 : i32 to vector<16xi32>
        %and3A_81 = arith.andi %and3A_78, %and3A_80 : vector<16xi32>
        %swap3A = arith.index_cast %add3A_68 : i32 to index
        %swap3A_82 = tpu.vector_load %arg15[%swap3A] {strides = array<i32>} : memref<8192xi32, #tpu.memory_space<vmem>>, vector<16xi32>,
        tpu.vector_store %arg15[%swap3A], %and3A_81 {strides = array<i32>} : memref<8192xi32, #tpu.memory_space<vmem>>, vector<16xi32>,
        %mul3A_83 = arith.constant 128 : i32
        %mul3A_84 = arith.muli %add3A_64, %mul3A_83 : i32
        %add3A_85 = arith.constant 16 : i32
        %add3A_86 = arith.addi %mul3A_84, %add3A_85 : i32
        %get3A_87 = arith.index_cast %add3A_86 : i32 to index
        %get3A_88 = tpu.vector_load %arg14[%get3A_87] {strides = array<i32>} : memref<8192xi32, #tpu.memory_space<vmem>>, vector<16xi32>,
        %get3A_89 = arith.index_cast %add3A_86 : i32 to index
        %get3A_90 = tpu.vector_load %arg13[%get3A_89] {strides = array<i32>} : memref<8192xi32, #tpu.memory_space<vmem>>, vector<16xi32>,
        %and3A_91 = arith.constant 31 : i32
        %and3A_92 = vector.broadcast %and3A_91 : i32 to vector<16xi32>
        %and3A_93 = arith.andi %get3A_90, %and3A_92 : vector<16xi32>
        %shift_right_arithmetic3A_94 = arith.shrsi %get3A_88, %and3A_93 : vector<16xi32>
        %shift_right_arithmetic3A_95 = arith.constant 5 : i32
        %shift_right_arithmetic3A_96 = vector.broadcast %shift_right_arithmetic3A_95 : i32 to vector<16xi32>
        %shift_right_arithmetic3A_97 = arith.shrsi %get3A_90, %shift_right_arithmetic3A_96 : vector<16xi32>
        %and3A_98 = arith.andi %shift_right_arithmetic3A_94, %shift_right_arithmetic3A_97 : vector<16xi32>
        %and3A_99 = arith.constant 1 : i32
        %and3A_100 = vector.broadcast %and3A_99 : i32 to vector<16xi32>
        %and3A_101 = arith.andi %and3A_98, %and3A_100 : vector<16xi32>
        %swap3A_102 = arith.index_cast %add3A_86 : i32 to index
        %swap3A_103 = tpu.vector_load %arg15[%swap3A_102] {strides = array<i32>} : memref<8192xi32, #tpu.memory_space<vmem>>, vector<16xi32>,
        tpu.vector_store %arg15[%swap3A_102], %and3A_101 {strides = array<i32>} : memref<8192xi32, #tpu.memory_space<vmem>>, vector<16xi32>,
        %mul3A_104 = arith.constant 128 : i32
        %mul3A_105 = arith.muli %add3A_64, %mul3A_104 : i32
        %add3A_106 = arith.constant 32 : i32
        %add3A_107 = arith.addi %mul3A_105, %add3A_106 : i32
        %get3A_108 = arith.index_cast %add3A_107 : i32 to index
        %get3A_109 = tpu.vector_load %arg14[%get3A_108] {strides = array<i32>} : memref<8192xi32, #tpu.memory_space<vmem>>, vector<16xi32>,
        %get3A_110 = arith.index_cast %add3A_107 : i32 to index
        %get3A_111 = tpu.vector_load %arg13[%get3A_110] {strides = array<i32>} : memref<8192xi32, #tpu.memory_space<vmem>>, vector<16xi32>,
        %and3A_112 = arith.constant 31 : i32
        %and3A_113 = vector.broadcast %and3A_112 : i32 to vector<16xi32>
        %and3A_114 = arith.andi %get3A_111, %and3A_113 : vector<16xi32>
        %shift_right_arithmetic3A_115 = arith.shrsi %get3A_109, %and3A_114 : vector<16xi32>
        %shift_right_arithmetic3A_116 = arith.constant 5 : i32
        %shift_right_arithmetic3A_117 = vector.broadcast %shift_right_arithmetic3A_116 : i32 to vector<16xi32>
        %shift_right_arithmetic3A_118 = arith.shrsi %get3A_111, %shift_right_arithmetic3A_117 : vector<16xi32>
        %and3A_119 = arith.andi %shift_right_arithmetic3A_115, %shift_right_arithmetic3A_118 : vector<16xi32>
        %and3A_120 = arith.constant 1 : i32
        %and3A_121 = vector.broadcast %and3A_120 : i32 to vector<16xi32>
        %and3A_122 = arith.andi %and3A_119, %and3A_121 : vector<16xi32>
        %swap3A_123 = arith.index_cast %add3A_107 : i32 to index
        %swap3A_124 = tpu.vector_load %arg15[%swap3A_123] {strides = array<i32>} : memref<8192xi32, #tpu.memory_space<vmem>>, vector<16xi32>,
        tpu.vector_store %arg15[%swap3A_123], %and3A_122 {strides = array<i32>} : memref<8192xi32, #tpu.memory_space<vmem>>, vector<16xi32>,
        %mul3A_125 = arith.constant 128 : i32
        %mul3A_126 = arith.muli %add3A_64, %mul3A_125 : i32
        %add3A_127 = arith.constant 48 : i32
        %add3A_128 = arith.addi %mul3A_126, %add3A_127 : i32
        %get3A_129 = arith.index_cast %add3A_128 : i32 to index
        %get3A_130 = tpu.vector_load %arg14[%get3A_129] {strides = array<i32>} : memref<8192xi32, #tpu.memory_space<vmem>>, vector<16xi32>,
        %get3A_131 = arith.index_cast %add3A_128 : i32 to index
        %get3A_132 = tpu.vector_load %arg13[%get3A_131] {strides = array<i32>} : memref<8192xi32, #tpu.memory_space<vmem>>, vector<16xi32>,
        %and3A_133 = arith.constant 31 : i32
        %and3A_134 = vector.broadcast %and3A_133 : i32 to vector<16xi32>
        %and3A_135 = arith.andi %get3A_132, %and3A_134 : vector<16xi32>
        %shift_right_arithmetic3A_136 = arith.shrsi %get3A_130, %and3A_135 : vector<16xi32>
        %shift_right_arithmetic3A_137 = arith.constant 5 : i32
        %shift_right_arithmetic3A_138 = vector.broadcast %shift_right_arithmetic3A_137 : i32 to vector<16xi32>
        %shift_right_arithmetic3A_139 = arith.shrsi %get3A_132, %shift_right_arithmetic3A_138 : vector<16xi32>
        %and3A_140 = arith.andi %shift_right_arithmetic3A_136, %shift_right_arithmetic3A_139 : vector<16xi32>
        %and3A_141 = arith.constant 1 : i32
        %and3A_142 = vector.broadcast %and3A_141 : i32 to vector<16xi32>
        %and3A_143 = arith.andi %and3A_140, %and3A_142 : vector<16xi32>
        %swap3A_144 = arith.index_cast %add3A_128 : i32 to index
        %swap3A_145 = tpu.vector_load %arg15[%swap3A_144] {strides = array<i32>} : memref<8192xi32, #tpu.memory_space<vmem>>, vector<16xi32>,
        tpu.vector_store %arg15[%swap3A_144], %and3A_143 {strides = array<i32>} : memref<8192xi32, #tpu.memory_space<vmem>>, vector<16xi32>,
        %mul3A_146 = arith.constant 128 : i32
        %mul3A_147 = arith.muli %add3A_64, %mul3A_146 : i32
        %add3A_148 = arith.constant 64 : i32
        %add3A_149 = arith.addi %mul3A_147, %add3A_148 : i32
        %get3A_150 = arith.index_cast %add3A_149 : i32 to index
        %get3A_151 = tpu.vector_load %arg14[%get3A_150] {strides = array<i32>} : memref<8192xi32, #tpu.memory_space<vmem>>, vector<16xi32>,
        %get3A_152 = arith.index_cast %add3A_149 : i32 to index
        %get3A_153 = tpu.vector_load %arg13[%get3A_152] {strides = array<i32>} : memref<8192xi32, #tpu.memory_space<vmem>>, vector<16xi32>,
        %and3A_154 = arith.constant 31 : i32
        %and3A_155 = vector.broadcast %and3A_154 : i32 to vector<16xi32>
        %and3A_156 = arith.andi %get3A_153, %and3A_155 : vector<16xi32>
        %shift_right_arithmetic3A_157 = arith.shrsi %get3A_151, %and3A_156 : vector<16xi32>
        %shift_right_arithmetic3A_158 = arith.constant 5 : i32
        %shift_right_arithmetic3A_159 = vector.broadcast %shift_right_arithmetic3A_158 : i32 to vector<16xi32>
        %shift_right_arithmetic3A_160 = arith.shrsi %get3A_153, %shift_right_arithmetic3A_159 : vector<16xi32>
        %and3A_161 = arith.andi %shift_right_arithmetic3A_157, %shift_right_arithmetic3A_160 : vector<16xi32>
        %and3A_162 = arith.constant 1 : i32
        %and3A_163 = vector.broadcast %and3A_162 : i32 to vector<16xi32>
        %and3A_164 = arith.andi %and3A_161, %and3A_163 : vector<16xi32>
        %swap3A_165 = arith.index_cast %add3A_149 : i32 to index
        %swap3A_166 = tpu.vector_load %arg15[%swap3A_165] {strides = array<i32>} : memref<8192xi32, #tpu.memory_space<vmem>>, vector<16xi32>,
        tpu.vector_store %arg15[%swap3A_165], %and3A_164 {strides = array<i32>} : memref<8192xi32, #tpu.memory_space<vmem>>, vector<16xi32>,
        %mul3A_167 = arith.constant 128 : i32
        %mul3A_168 = arith.muli %add3A_64, %mul3A_167 : i32
        %add3A_169 = arith.constant 80 : i32
        %add3A_170 = arith.addi %mul3A_168, %add3A_169 : i32
        %get3A_171 = arith.index_cast %add3A_170 : i32 to index
        %get3A_172 = tpu.vector_load %arg14[%get3A_171] {strides = array<i32>} : memref<8192xi32, #tpu.memory_space<vmem>>, vector<16xi32>,
        %get3A_173 = arith.index_cast %add3A_170 : i32 to index
        %get3A_174 = tpu.vector_load %arg13[%get3A_173] {strides = array<i32>} : memref<8192xi32, #tpu.memory_space<vmem>>, vector<16xi32>,
        %and3A_175 = arith.constant 31 : i32
        %and3A_176 = vector.broadcast %and3A_175 : i32 to vector<16xi32>
        %and3A_177 = arith.andi %get3A_174, %and3A_176 : vector<16xi32>
        %shift_right_arithmetic3A_178 = arith.shrsi %get3A_172, %and3A_177 : vector<16xi32>
        %shift_right_arithmetic3A_179 = arith.constant 5 : i32
        %shift_right_arithmetic3A_180 = vector.broadcast %shift_right_arithmetic3A_179 : i32 to vector<16xi32>
        %shift_right_arithmetic3A_181 = arith.shrsi %get3A_174, %shift_right_arithmetic3A_180 : vector<16xi32>
        %and3A_182 = arith.andi %shift_right_arithmetic3A_178, %shift_right_arithmetic3A_181 : vector<16xi32>
        %and3A_183 = arith.constant 1 : i32
        %and3A_184 = vector.broadcast %and3A_183 : i32 to vector<16xi32>
        %and3A_185 = arith.andi %and3A_182, %and3A_184 : vector<16xi32>
        %swap3A_186 = arith.index_cast %add3A_170 : i32 to index
        %swap3A_187 = tpu.vector_load %arg15[%swap3A_186] {strides = array<i32>} : memref<8192xi32, #tpu.memory_space<vmem>>, vector<16xi32>,
        tpu.vector_store %arg15[%swap3A_186], %and3A_185 {strides = array<i32>} : memref<8192xi32, #tpu.memory_space<vmem>>, vector<16xi32>,
        %mul3A_188 = arith.constant 128 : i32
        %mul3A_189 = arith.muli %add3A_64, %mul3A_188 : i32
        %add3A_190 = arith.constant 96 : i32
        %add3A_191 = arith.addi %mul3A_189, %add3A_190 : i32
        %get3A_192 = arith.index_cast %add3A_191 : i32 to index
        %get3A_193 = tpu.vector_load %arg14[%get3A_192] {strides = array<i32>} : memref<8192xi32, #tpu.memory_space<vmem>>, vector<16xi32>,
        %get3A_194 = arith.index_cast %add3A_191 : i32 to index
        %get3A_195 = tpu.vector_load %arg13[%get3A_194] {strides = array<i32>} : memref<8192xi32, #tpu.memory_space<vmem>>, vector<16xi32>,
        %and3A_196 = arith.constant 31 : i32
        %and3A_197 = vector.broadcast %and3A_196 : i32 to vector<16xi32>
        %and3A_198 = arith.andi %get3A_195, %and3A_197 : vector<16xi32>
        %shift_right_arithmetic3A_199 = arith.shrsi %get3A_193, %and3A_198 : vector<16xi32>
        %shift_right_arithmetic3A_200 = arith.constant 5 : i32
        %shift_right_arithmetic3A_201 = vector.broadcast %shift_right_arithmetic3A_200 : i32 to vector<16xi32>
        %shift_right_arithmetic3A_202 = arith.shrsi %get3A_195, %shift_right_arithmetic3A_201 : vector<16xi32>
        %and3A_203 = arith.andi %shift_right_arithmetic3A_199, %shift_right_arithmetic3A_202 : vector<16xi32>
        %and3A_204 = arith.constant 1 : i32
        %and3A_205 = vector.broadcast %and3A_204 : i32 to vector<16xi32>
        %and3A_206 = arith.andi %and3A_203, %and3A_205 : vector<16xi32>
        %swap3A_207 = arith.index_cast %add3A_191 : i32 to index
        %swap3A_208 = tpu.vector_load %arg15[%swap3A_207] {strides = array<i32>} : memref<8192xi32, #tpu.memory_space<vmem>>, vector<16xi32>,
        tpu.vector_store %arg15[%swap3A_207], %and3A_206 {strides = array<i32>} : memref<8192xi32, #tpu.memory_space<vmem>>, vector<16xi32>,
        %mul3A_209 = arith.constant 128 : i32
        %mul3A_210 = arith.muli %add3A_64, %mul3A_209 : i32
        %add3A_211 = arith.constant 112 : i32
        %add3A_212 = arith.addi %mul3A_210, %add3A_211 : i32
        %get3A_213 = arith.index_cast %add3A_212 : i32 to index
        %get3A_214 = tpu.vector_load %arg14[%get3A_213] {strides = array<i32>} : memref<8192xi32, #tpu.memory_space<vmem>>, vector<16xi32>,
        %get3A_215 = arith.index_cast %add3A_212 : i32 to index
        %get3A_216 = tpu.vector_load %arg13[%get3A_215] {strides = array<i32>} : memref<8192xi32, #tpu.memory_space<vmem>>, vector<16xi32>,
        %and3A_217 = arith.constant 31 : i32
        %and3A_218 = vector.broadcast %and3A_217 : i32 to vector<16xi32>
        %and3A_219 = arith.andi %get3A_216, %and3A_218 : vector<16xi32>
        %shift_right_arithmetic3A_220 = arith.shrsi %get3A_214, %and3A_219 : vector<16xi32>
        %shift_right_arithmetic3A_221 = arith.constant 5 : i32
        %shift_right_arithmetic3A_222 = vector.broadcast %shift_right_arithmetic3A_221 : i32 to vector<16xi32>
        %shift_right_arithmetic3A_223 = arith.shrsi %get3A_216, %shift_right_arithmetic3A_222 : vector<16xi32>
        %and3A_224 = arith.andi %shift_right_arithmetic3A_220, %shift_right_arithmetic3A_223 : vector<16xi32>
        %and3A_225 = arith.constant 1 : i32
        %and3A_226 = vector.broadcast %and3A_225 : i32 to vector<16xi32>
        %and3A_227 = arith.andi %and3A_224, %and3A_226 : vector<16xi32>
        %swap3A_228 = arith.index_cast %add3A_212 : i32 to index
        %swap3A_229 = tpu.vector_load %arg15[%swap3A_228] {strides = array<i32>} : memref<8192xi32, #tpu.memory_space<vmem>>, vector<16xi32>,
        tpu.vector_store %arg15[%swap3A_228], %and3A_227 {strides = array<i32>} : memref<8192xi32, #tpu.memory_space<vmem>>, vector<16xi32>,
      }
      %scan3A_59 = arith.constant 64 : i32
      "tpu.region"() ({
        %run_scoped3A = tpu.sem_alloc : memref<!tpu.dma_semaphore, #tpu.memory_space<semaphore_mem>>
        %dma_start3A_60 = tpu.memref_slice %arg7[%add3A_30] : memref<2097152xi32, #tpu.memory_space<hbm>> -> memref<8192xi32, #tpu.memory_space<hbm>>
        %dma_start3A_61 = tpu.memref_slice %arg7[%add3A_30] : memref<2097152xi32, #tpu.memory_space<hbm>> -> memref<8192xi32, #tpu.memory_space<hbm>>
        tpu.enqueue_dma source(%arg15 : memref<8192xi32, #tpu.memory_space<vmem>>) target(%dma_start3A_61 : memref<8192xi32, #tpu.memory_space<hbm>>) target_semaphore(%run_scoped3A : memref<!tpu.dma_semaphore, #tpu.memory_space<semaphore_mem>>)
        %dma_wait3A_62 = tpu.memref_slice %arg7[%add3A_30] : memref<2097152xi32, #tpu.memory_space<hbm>> -> memref<8192xi32, #tpu.memory_space<hbm>>
        %dma_wait3A_63 = tpu.memref_slice %arg7[%add3A_30] : memref<2097152xi32, #tpu.memory_space<hbm>> -> memref<8192xi32, #tpu.memory_space<hbm>>
        tpu.wait_dma2 semaphore(%run_scoped3A : memref<!tpu.dma_semaphore, #tpu.memory_space<semaphore_mem>>) src(%arg15 : memref<8192xi32, #tpu.memory_space<vmem>>) dst(%dma_wait3A_63 : memref<8192xi32, #tpu.memory_space<hbm>>)
        tpu.yield
      }) : () -> ()
    }
    %scan3A_20 = arith.constant 8 : i32
    return
  }
}

</mosaic_0001>

<sc_bundles>
// kernel: kernel.3.cloned.1.call-start
scs
__scs_entry_jumppad:
0x0: {  	(pc) =	sbr.rel $0x88, $3  }
0x1: {  	(tag) =	ssettag $0x0;
	lr =	simm.s32 $0x1  }
0x2: {  	[smem:$0x3F9D] =	sst lr;
	_ =	strace $0xD0000000  }
0x3: {  	_ = 	snop  }
0x4: {  	_ = 	snop  }
0x5: {  	_ = 	snop  }
0x6: {  	_ = 	snop  }
0x7: {  	_ = 	snop  }
__scs_overlays_trampoline_lowered:
0x8: {  	[smem:$0x3FAC] =	sst s0  }
0x9: {  	[smem:$0x3FAD] =	sst s1  }
0xa: {  	[smem:$0x3FAE] =	sst s2  }
0xb: {  	[smem:$0x3FAF] =	sst s3  }
0xc: {  	[smem:$0x3FB0] =	sst s4  }
0xd: {  	[smem:$0x3FB1] =	sst s5  }
0xe: {  	[smem:$0x3FB2] =	sst s6  }
0xf: {  	[smem:$0x3FB3] =	sst s7  }
0x10: {  	[smem:$0x3FB4] =	sst s8  }
0x11: {  	[smem:$0x3FB5] =	sst s9;
	s0 =	simm.s32 @!p0 $0x0  }
0x12: {  	s1 =	sld [smem:$0x3F9B];
	s0 =	simm.s32 @p0 $0x1  }
0x13: {  	[smem:$0x3FB6] =	sst s0;
	s0 =	simm.s32 @!p1 $0x0  }
0x14: {  	s2 =	sld [smem:$0x3F9A];
	s0 =	simm.s32 @p1 $0x1  }
0x15: {  	[smem:$0x3FB7] =	sst s0;
	s0 =	simm.s32 @!p2 $0x0  }
0x16: {  	s3 =	sld [smem:$0x3FDB];
	s0 =	simm.s32 @p2 $0x1  }
0x17: {  	s4 =	simm.s32 $0x1BF5;
	[smem:$0x3FB9] =	sst s0  }
0x18: {  	s0 =	sld [smem:$0x3F9C];
	_ =	swait.ge [sflag:s4], $0x0  }
0x19: {  	s7 =	sld [smem:$0x3F9D]  }
0x1a: {  	s8 =	sadd.s32 $0xFFFFE003, lr  }
0x1b: {  	s9 =	sadd.s32 $0xFFFFFEF7, lr;
	s5 =	simm.s32 $0xFFFFFFFF;
	p2 =	slt.u32 s8, $0xFFFFF086  }
0x1c: {  	p1 =	slt.u32 s9, $0xF7A;
	s5 =	simm.s32 @!p2 $0x0  }
0x1d: {  	s5 =	simm.s32 @p1 $0x1;
	p0 =	seq.s32 s7, s2  }
0x1e: {  	s7 =	smul.u32 @!p0 $0xF7A, s2;
	p2 =	seq.s32 @!p0 s5, $0x0  }
0x1f: {  	s9 =	smul.u32 $0xF7A, s1;
	s8 =	simm.s32 @!p0 $0x1BF5;
	p2 =	por !p2, p0  }
0x20: {  	[sflag:s8] =	ssyncset.s32 @!p0 $0xFFFFF086;
	s6 =	sadd.s32 @!p0 s3, s7;
	s7 =	simm.s32 @!p0 $0x108  }
0x21: {  	s3 =	sadd.s32 s3, s9;
	s6 =	sadd.s32 @!p0 $0x88, s6;
	s7 =	simm.s32 @p2 $0x1082  }
0x22: {  	[simem:s7], [sflag:s8] =	dma.local @!p0 [hbm:s6], $0xF7A  }
0x23: {  	s9 =	sor.u32 $0xD0000000, s2;
	s6 =	simm.s32 $0x108;
	_ =	swait.ge @!p0 [sflag:s8], $0x0  }
0x24: {  	s3 =	sadd.s32 $0x88, s3;
	s6 =	simm.s32 @!p1 $0x1082;
	[sflag:s4] =	ssyncset.s32 $0xFFFFF086  }
0x25: {  	[simem:s6], [sflag:s4] =	dma.local [hbm:s3], $0xF7A  }
0x26: {  	[smem:$0x3F9D] =	sst s1;
	(tag) =	ssettag s2;
	_ =	strace s9  }
0x27: {  	s1 =	sld [smem:$0x3FAD]  }
0x28: {  	s2 =	sld [smem:$0x3FAE]  }
0x29: {  	s4 =	sld [smem:$0x3FB0]  }
0x2a: {  	p0 =	seq.s32 s5, $0x0;
	s5 =	sld [smem:$0x3FB1]  }
0x2b: {  	s6 =	sld [smem:$0x3FB2]  }
0x2c: {  	s7 =	sld [smem:$0x3FB3]  }
0x2d: {  	s3 =	simm.s32 $0x108;
	s8 =	sld [smem:$0x3FB4]  }
0x2e: {  	s3 =	simm.s32 @!p0 $0x1082;
	s9 =	sld [smem:$0x3FB5]  }
0x2f: {  	lr =	sadd.s32 s0, s3;
	s0 =	sld [smem:$0x3FAC]  }
0x30: {  	s3 =	sld [smem:$0x3FAF]  }
0x31: {  	[smem:$0x3FB8] =	sst s10  }
0x32: {  	s10 =	sld [smem:$0x3FB6];
	_ =	sdelay $0x3  }
0x33: {  	p0 =	seq.s32 s10, $0x1;
	s10 =	sld [smem:$0x3FB8];
	_ =	sdelay $0x3  }
0x34: {  	[smem:$0x3FB8] =	sst s10  }
0x35: {  	s10 =	sld [smem:$0x3FB7];
	_ =	sdelay $0x3  }
0x36: {  	p1 =	seq.s32 s10, $0x1;
	s10 =	sld [smem:$0x3FB8];
	_ =	sdelay $0x3  }
0x37: {  	[smem:$0x3FB8] =	sst s10  }
0x38: {  	s10 =	sld [smem:$0x3FB9]  }
0x39: {  	_ = 	snop;
	(pc) =	sbr.ind lr, $3  }
0x3a: {  	_ = 	snop  }
0x3b: {  	_ = 	snop  }
0x3c: {  	p2 =	seq.s32 s10, $0x1;
	s10 =	sld [smem:$0x3FB8]  }
0x3d: {  	_ =	shalt  }
0x3e: {  	_ =	shalt  }
0x3f: {  	_ =	shalt  }
0x40: {  	_ =	shalt  }
0x41: {  	_ =	shalt  }
0x42: {  	_ =	shalt  }
0x43: {  	_ =	shalt  }
0x44: {  	_ =	shalt  }
0x45: {  	_ =	shalt  }
0x46: {  	_ =	shalt  }
0x47: {  	_ =	shalt  }
0x48: {  	_ =	shalt  }
0x49: {  	_ =	shalt  }
0x4a: {  	_ =	shalt  }
0x4b: {  	_ =	shalt  }
0x4c: {  	_ =	shalt  }
0x4d: {  	_ =	shalt  }
0x4e: {  	_ =	shalt  }
0x4f: {  	_ =	shalt  }
0x50: {  	_ =	shalt  }
0x51: {  	_ =	shalt  }
0x52: {  	_ =	shalt  }
0x53: {  	_ =	shalt  }
0x54: {  	_ =	shalt  }
0x55: {  	_ =	shalt  }
0x56: {  	_ =	shalt  }
0x57: {  	_ =	shalt  }
0x58: {  	_ =	shalt  }
0x59: {  	_ =	shalt  }
0x5a: {  	_ =	shalt  }
0x5b: {  	_ =	shalt  }
0x5c: {  	_ =	shalt  }
0x5d: {  	_ =	shalt  }
0x5e: {  	_ =	shalt  }
0x5f: {  	_ =	shalt  }
0x60: {  	_ =	shalt  }
0x61: {  	_ =	shalt  }
0x62: {  	_ =	shalt  }
0x63: {  	_ =	shalt  }
0x64: {  	_ =	shalt  }
0x65: {  	_ =	shalt  }
0x66: {  	_ =	shalt  }
0x67: {  	_ =	shalt  }
0x68: {  	_ =	shalt  }
0x69: {  	_ =	shalt  }
0x6a: {  	_ =	shalt  }
0x6b: {  	_ =	shalt  }
0x6c: {  	_ =	shalt  }
0x6d: {  	_ =	shalt  }
0x6e: {  	_ =	shalt  }
0x6f: {  	_ =	shalt  }
0x70: {  	_ =	shalt  }
0x71: {  	_ =	shalt  }
0x72: {  	_ =	shalt  }
0x73: {  	_ =	shalt  }
0x74: {  	_ =	shalt  }
0x75: {  	_ =	shalt  }
0x76: {  	_ =	shalt  }
0x77: {  	_ =	shalt  }
0x78: {  	_ =	shalt  }
0x79: {  	_ =	shalt  }
0x7a: {  	_ =	shalt  }
0x7b: {  	_ =	shalt  }
0x7c: {  	_ =	shalt  }
0x7d: {  	_ =	shalt  }
0x7e: {  	_ =	shalt  }
0x7f: {  	_ =	shalt  }
0x80: {  	_ =	shalt  }
0x81: {  	_ =	shalt  }
0x82: {  	_ =	shalt  }
0x83: {  	_ =	shalt  }
0x84: {  	_ =	shalt  }
0x85: {  	_ =	shalt  }
0x86: {  	_ =	shalt  }
0x87: {  	_ =	shalt  }
.Lfunc_end0:
.L_simem_size_0:
called_computation_lowered:
.L_overlay_start_0:
0x88: {  	s2 =	sld [smem:$0x3FD9]  }
0x89: {  	s3 =	sld [smem:$0x3FFE];
	_ =	sdelay $0x1  }
0x8a: {  	s1 =	srdreg.scid  }
0x8b: {  	s0 =	sand.u32 $0x1, s1  }
0x8c: {  	s17 =	sshll.u32 s0, $0xA;
	s2 =	sadd.s32 s3, s2  }
0x8d: {  	s2 =	sadd.s32 s2, s17  }
0x8e: {  	[smem:$0x3FC4] =	sst s2  }
0x8f: {  	_ = 	snop  }
0x90: {  	s2 =	sld [smem:$0x3FD0];
	(tm) =	ssettm $0x1  }
0x91: {  	s18 =	sld [smem:$0x3FFB];
	_ =	sdelay $0x3  }
0x92: {  	_ =	strace s18  }
0x93: {  	s3 =	sld [smem:$0x3FFC];
	_ =	sdelay $0x3  }
0x94: {  	_ =	strace s3  }
0x95: {  	s3 =	sld [smem:$0x3FFD];
	_ =	sdelay $0x3  }
0x96: {  	_ =	strace s3  }
0x97: {  	_ =	strace $0x8FFFFFFF  }
0x98: {  	s19 =	sld [smem:$0x3FDB];
	_ =	sdelay $0x1  }
0x99: {  	s4 =	simm.s32 $_scs_section_size  }
0x9a: {  	s5 =	simm.s32 $_size__tile_overlayer_lowered;
	s6 =	simm.s32 $_tile_overlayer_lowered  }
0x9b: {  	s22 =	simm.s32 $0x1BFF;
	s21 =	sshll.u32 s6, $0x1;
	s3 =	sadd.s32 s4, s19  }
0x9c: {  	s7 =	simm.s32 $0x0;
	s20 =	sshll.u32 s5, $0x1;
	s5 =	sadd.s32 s21, s3  }
0x9d: {  	[timem:s7], [sflag:s22] =	dma.local [hbm:s5], s20  }
0x9e: {  	_ =	swait.ge [sflag:s22], s20  }
0x9f: {  	s4 =	ssub.s32 $0x0, s20;
	[sflag:s22] =	ssyncset.done $0x0  }
0xa0: {  	[sflag:s22] =	ssyncadd.s32 s4;
	_ =	sdelay $0x1  }
0xa1: {  	s23 =	simm.s32 $0x1B8B  }
0xa2: {  	_ =	swait.ge [sflag:s23], $0x1  }
0xa3: {  	[sflag:s23] =	ssyncset.done $0x0  }
0xa4: {  	s25 =	simm.s32 $0x1B8E;
	s24 =	sld [smem:$0x3FFE];
	[sflag:s23] =	ssyncadd.s32 $0xFFFFFFFF  }
0xa5: {  	s26 =	simm.s32 $execute0_lowered;
	[smem:$0x3FD2] =	sst s25  }
0xa6: {  	s5 =	sshll.u32 s26, $0x1;
	_ =	strace $0x80000046;
	[dreg:$0x1] =	wrdreg $0xFFFFFFFF  }
0xa7: {  	s28 =	simm.s32 $_size_execute0_lowered;
	s3 =	sadd.s32 s3, s5;
	[dreg:$0x0] =	wrdreg $0x0  }
0xa8: {  	s5 =	sshll.u32 s28, $0x1;
	[dreg:$0x2] =	wrdreg s3  }
0xa9: {  	[dreg:$0x3] =	wrdreg s5  }
0xaa: {  	[dreg:$0x4] =	wrdreg $0xC0  }
0xab: {  	_ =	task [dreg:s7], $0x5FFFF  }
0xac: {  	[dreg:$0x1] =	wrdreg $0xFFFFFFFF  }
0xad: {  	[dreg:$0x0] =	wrdreg $0x60  }
0xae: {  	[dreg:$0x2] =	wrdreg s24  }
0xaf: {  	[dreg:$0x3] =	wrdreg s2  }
0xb0: {  	[dreg:$0x4] =	wrdreg $0xE0800  }
0xb1: {  	[dreg:$0x5] =	wrdreg $0x9  }
0xb2: {  	_ =	task.clear_ibuf [dreg:s7], $0x6FFFF;
	_ =	strace $0x90000046  }
0xb3: {  	s29 =	simm.s32 $0x9;
	_ =	strace $0x80000048  }
0xb4: {  	_ =	swait.ge [sflag:s29], $0x1  }
0xb5: {  	[sflag:s29] =	ssyncadd.s32 $0xFFFFFFFF  }
0xb6: {  	_ =	strace $0x90000048  }
0xb7: {  	_ =	sfence  }
0xb8: {  	s30 =	sld [smem:$0x0];
	_ =	sdelay $0x2  }
0xb9: {  	s31 =	sshll.u32 s1, $0xD;
	s1 =	sshrl.u32 s1, $0x2  }
0xba: {  	s3 =	sand.u32 $0x4000, s31;
	s1 =	sadd.s32 s1, s30  }
0xbb: {  	s0 =	sor.u32 s3, s0;
	s1 =	sshll.u32 s1, $0x11  }
0xbc: {  	s0 =	sor.u32 s1, s0  }
0xbd: {  	s0 =	sadd.s32 $0x8F2B, s0  }
0xbe: {  	[sflag:s0] =	ssyncadd.remote.s32 $0x1  }
0xbf: {  	_ =	sfence.sel $0xFFFF  }
0xc0: {  	[dreg:$0x0] =	wrdreg $0xFFFFFFFF;
	(pc) =	sbr.abs _section_cstart, $3  }
0xc1: {  	[dreg:$0x1] =	wrdreg $0xFFFFFFFF  }
0xc2: {  	_ =	task.clear_ibuf [dreg:s7], $0x2FFFF;
	_ =	strace $0x9FFFFFFF  }
0xc3: {  	(tm) =	ssettm $0x7FFFFFFF  }
tec
execute0_lowered:
.L_overlay_start_1:
0x0: {  	(tag) =	ssettag $0x1  }
0x1: {  	s0 =	rddreg [dreg:$0x0]  }
0x2: {  	s5 =	rddreg [dreg:$0x1]  }
0x3: {  	s1 =	rddreg [dreg:$0x2];
	s2 =	simm.s32 $0x0  }
0x4: {  	s6 =	srdreg.scid;
	s11 =	stileid.u32;
	s28 =	simm.s32 $0xBF00  }
0x5: {  	s29 =	simm.s32 $0x7F80;
	s30 =	simm.s32 $0xBF80;
	s31 =	simm.s32 $0x8000  }
0x6: {  	[smem:$0x7FF] =	sst s2;
	s3 =	sadd.s32 $0x1800, s0;
	s4 =	sadd.s32 $0x41800, s0  }
0x7: {  	s7 =	sand.u32 $0x1, s6;
	s6 =	sadd.s32 $0x81800, s0;
	s8 =	sadd.s32 $0xC1800, s0  }
0x8: {  	s15 =	sshll.u32 s11, $0xE;
	s10 =	sshll.u32 s11, $0xF;
	s16 =	sshll.u32 s11, $0xC  }
0x9: {  	_ =	strace $0x80000047;
	[dreg:$0x4] =	wrdreg s8;
	s9 =	ssub.s32 $0x2, s7  }
0xa: {  	s8 =	sadd.s32 $0xC1A00, s0;
	s7 =	sshll.u32 s7, $0xD;
	s17 =	sadd.s32 s5, s16  }
0xb: {  	s18 =	sor.u32 $0x2000, s10;
	s19 =	sadd.s32 s10, s1;
	s21 =	sor.u32 $0x4000, s10  }
0xc: {  	s10 =	sor.u32 $0x6000, s10;
	s16 =	simm.s32 $0x7D80;
	[dreg:$0x6] =	wrdreg s17  }
0xd: {  	s14 =	sshrl.u32 s9, $0x1;
	[dreg:$0x7] =	wrdreg s19;
	s20 =	sshrl.u32 s18, $0x3  }
0xe: {  	s22 =	sshrl.u32 s21, $0x3;
	s24 =	sshrl.u32 s10, $0x3;
	s25 =	sadd.s32 s21, s1  }
0xf: {  	s26 =	sadd.s32 s10, s1;
	s19 =	simm.s32 $0xA080;
	s21 =	simm.s32 $0x80  }
0x10: {  	s17 =	simm.s32 $0xBD80;
	s10 =	simm.s32 $0x0;
	s0 =	ssub.s32 s9, s14  }
0x11: {  	s9 =	sor.u32 s7, s15;
	s7 =	sadd.s32 s5, s20;
	[dreg:$0xb] =	wrdreg s25  }
0x12: {  	s23 =	sadd.s32 s5, s22;
	[dreg:$0xd] =	wrdreg s26;
	s20 =	simm.s32 $0x2  }
0x13: {  	s14 =	simm.s32 $0x7D00;
	s15 =	simm.s32 $0xBD00;
	s22 =	simm.s32 $0xBE00  }
0x14: {  	s25 =	simm.s32 $0xBE80;
	s26 =	simm.s32 $0x7F00;
	[dreg:$0x8] =	wrdreg s7  }
0x15: {  	s0 =	smax.u32 s0, $0x1;
	[dreg:$0xa] =	wrdreg s23;
	s23 =	simm.s32 $0x7E80  }
0x16: {  	[dreg:$0x5] =	wrdreg s0;
	s0 =	sadd.s32 s18, s1;
	s18 =	simm.s32 $0x7E00  }
0x17: {  	[dreg:$0x9] =	wrdreg s0;
	s0 =	sadd.s32 s5, s24;
	s24 =	simm.s32 $0x1  }
0x18: {  	v0 =	vimm.s32 $0x0;
	s5 =	simm.s32 $0xC080;
	[dreg:$0xc] =	wrdreg s0;
	s0 =	simm.s32 $0xC000  }
.LBB2_1:
0x19: {  	[dreg:$0xe] =	wrdreg s10  }
0x1a: {  	s7 =	rddreg [dreg:$0x6]  }
0x1b: {  	[tilespmem:s19], [sflag:$0x2] =	stream.linear.gather [hbm4b:s7+s2], $0x2000, $0x38;
	[tilespmem:$0x16080] =	vst v63  }
0x1c: {  	_ =	swait.ge [sflag:s20], $0x2000  }
0x1d: {  	[sflag:s20] =	ssyncset.done $0x0  }
0x1e: {  	s10 =	rddreg [dreg:$0x7];
	[sflag:s20] =	ssyncadd.s32 $0xFFFFE000  }
0x1f: {  	[spmem:s10] =	stream.linear.scatter [tilespmem:s19], [sflag:$0x2], $0x2000, $0x38;
	[tilespmem:$0x16080] =	vst v63  }
0x20: {  	_ =	swait.ge [sflag:s20], $0x2000  }
0x21: {  	[sflag:s20] =	ssyncset.done $0x0  }
0x22: {  	s11 =	rddreg [dreg:$0x8];
	[sflag:s20] =	ssyncadd.s32 $0xFFFFE000  }
0x23: {  	[tilespmem:s19], [sflag:$0x2] =	stream.linear.gather [hbm4b:s11+s2], $0x2000, $0x38;
	[tilespmem:$0x16080] =	vst v63  }
0x24: {  	_ =	swait.ge [sflag:s20], $0x2000  }
0x25: {  	[sflag:s20] =	ssyncset.done $0x0  }
0x26: {  	s12 =	rddreg [dreg:$0x9];
	[sflag:s20] =	ssyncadd.s32 $0xFFFFE000  }
0x27: {  	[spmem:s12] =	stream.linear.scatter [tilespmem:s19], [sflag:$0x2], $0x2000, $0x38;
	[tilespmem:$0x16080] =	vst v63  }
0x28: {  	_ =	swait.ge [sflag:s20], $0x2000  }
0x29: {  	[sflag:s20] =	ssyncset.done $0x0  }
0x2a: {  	s13 =	rddreg [dreg:$0xa];
	[sflag:s20] =	ssyncadd.s32 $0xFFFFE000  }
0x2b: {  	[tilespmem:s19], [sflag:$0x2] =	stream.linear.gather [hbm4b:s13+s2], $0x2000, $0x38;
	[tilespmem:$0x16080] =	vst v63  }
0x2c: {  	_ =	swait.ge [sflag:s20], $0x2000  }
0x2d: {  	[sflag:s20] =	ssyncset.done $0x0  }
0x2e: {  	s10 =	rddreg [dreg:$0xb];
	[sflag:s20] =	ssyncadd.s32 $0xFFFFE000  }
0x2f: {  	[spmem:s10] =	stream.linear.scatter [tilespmem:s19], [sflag:$0x2], $0x2000, $0x38;
	[tilespmem:$0x16080] =	vst v63  }
0x30: {  	_ =	swait.ge [sflag:s20], $0x2000  }
0x31: {  	[sflag:s20] =	ssyncset.done $0x0  }
0x32: {  	s11 =	rddreg [dreg:$0xc];
	[sflag:s20] =	ssyncadd.s32 $0xFFFFE000  }
0x33: {  	[tilespmem:s19], [sflag:$0x2] =	stream.linear.gather [hbm4b:s11+s2], $0x2000, $0x38;
	[tilespmem:$0x16080] =	vst v63  }
0x34: {  	_ =	swait.ge [sflag:s20], $0x2000  }
0x35: {  	[sflag:s20] =	ssyncset.done $0x0  }
0x36: {  	s12 =	rddreg [dreg:$0xd];
	[sflag:s20] =	ssyncadd.s32 $0xFFFFE000  }
0x37: {  	[spmem:s12] =	stream.linear.scatter [tilespmem:s19], [sflag:$0x2], $0x2000, $0x38;
	[tilespmem:$0x16080] =	vst v63  }
0x38: {  	_ =	swait.ge [sflag:s20], $0x2000  }
0x39: {  	[sflag:s20] =	ssyncset.done $0x0  }
0x3a: {  	[sflag:s20] =	ssyncadd.s32 $0xFFFFE000  }
0x3b: {  	[bflag:$0x0] =	sbarrier.arrive $0xFFFF  }
0x3c: {  	s13 =	rddreg [dreg:$0x4]  }
0x3d: {  	[tilespmem:s2], [sflag:$0x2] =	stream.linear.gather [hbm4b:s13+s2], $0x80, $0x38;
	[tilespmem:$0x16080] =	vst v63  }
0x3e: {  	_ =	swait.ge [sflag:s20], $0x80  }
0x3f: {  	[sflag:s20] =	ssyncset.done $0x0  }
0x40: {  	[sflag:s20] =	ssyncadd.s32 $0xFFFFFF80  }
0x41: {  	v1 =	vld [tilespmem:$0x0]  }
0x42: {  	v2 =	vld [tilespmem:$0x10]  }
0x43: {  	v3 =	vld [tilespmem:$0x20]  }
0x44: {  	v4 =	vld [tilespmem:$0x30]  }
0x45: {  	v5 =	vld [tilespmem:$0x40]  }
0x46: {  	s7 =	simm.s32 $0x0;
	v6 =	vld [tilespmem:$0x50]  }
.LBB2_2:
0x47: {  	s10 =	sshll.u32 s7, $0xA  }
0x48: {  	s10 =	sadd.s32 s9, s10  }
0x49: {  	s12 =	simm.s32 $0x0;
	s11 =	sadd.s32 s3, s10  }
0x4a: {  	[tilespmem:s21], [sflag:$0x1] =	stream.linear.gather [hbm4b:s11+s12], $0x2000, $0x38;
	[tilespmem:$0x16080] =	vst v63  }
0x4b: {  	s13 =	simm.s32 $0x2080;
	s11 =	sadd.s32 s4, s10  }
0x4c: {  	[tilespmem:s13], [sflag:$0x1] =	stream.linear.gather [hbm4b:s11+s12], $0x2000, $0x38;
	[tilespmem:$0x16080] =	vst v63  }
0x4d: {  	s11 =	sadd.s32 s6, s10;
	s13 =	simm.s32 $0x4080  }
0x4e: {  	[tilespmem:s13], [sflag:$0x1] =	stream.linear.gather [hbm4b:s11+s12], $0x2000, $0x38;
	[tilespmem:$0x16080] =	vst v63  }
0x4f: {  	_ =	swait.ge [sflag:s24], $0x2000  }
0x50: {  	[sflag:s24] =	ssyncset.done $0x0  }
0x51: {  	[sflag:s24] =	ssyncadd.s32 $0xFFFFE000  }
0x52: {  	_ =	swait.ge [sflag:s24], $0x2000  }
0x53: {  	[sflag:s24] =	ssyncset.done $0x0  }
0x54: {  	[sflag:s24] =	ssyncadd.s32 $0xFFFFE000  }
0x55: {  	_ =	swait.ge [sflag:s24], $0x2000  }
0x56: {  	[sflag:s24] =	ssyncset.done $0x0  }
0x57: {  	s11 =	simm.s32 $0x0;
	[sflag:s24] =	ssyncadd.s32 $0xFFFFE000  }
0x58: {  	v7 =	vld [tilespmem:s11+$0xF0]  }
0x59: {  	v8 =	vld [tilespmem:s11+$0x20F0]  }
0x5a: {  	v9 =	vld [tilespmem:s11+$0x40F0]  }
0x5b: {  	v10 =	vld [tilespmem:s11+$0x80]  }
0x5c: {  	v11 =	vld [tilespmem:s11+$0x2080]  }
0x5d: {  	v12 =	vld [tilespmem:s11+$0x90]  }
0x5e: {  	v13 =	vld [tilespmem:s11+$0x2090]  }
0x5f: {  	v14 =	vld [tilespmem:s11+$0xA0]  }
0x60: {  	v15 =	vld [tilespmem:s11+$0x20A0]  }
0x61: {  	v18 =	vld [tilespmem:s11+$0xC0]  }
0x62: {  	v19 =	vld [tilespmem:s11+$0x20C0];
	v7 =	vmul.f32 v7, v1  }
0x63: {  	v20 =	vld [tilespmem:s11+$0xD0];
	v8 =	vmul.f32 v8, v2;
	v9 =	vmul.f32 v9, v3  }
0x64: {  	v21 =	vld [tilespmem:s11+$0x20D0];
	v10 =	vmul.f32 v10, v1;
	v11 =	vmul.f32 v11, v2  }
0x65: {  	v24 =	vld [tilespmem:s11+$0x20E0];
	v12 =	vmul.f32 v12, v1;
	v13 =	vmul.f32 v13, v2  }
0x66: {  	v41 =	vld [tilespmem:s11+$0x4090];
	v14 =	vmul.f32 v14, v1;
	v15 =	vmul.f32 v15, v2  }
0x67: {  	v26 =	vld [tilespmem:s11+$0x40C0];
	v18 =	vmul.f32 v18, v1;
	v19 =	vmul.f32 v19, v2;
	v7 =	vadd.f32 v7, v4  }
0x68: {  	v20 =	vmul.f32 v20, v1;
	v8 =	vadd.f32 v8, v5;
	v9 =	vadd.f32 v9, v6  }
0x69: {  	v21 =	vmul.f32 v21, v2;
	v10 =	vadd.f32 v10, v4;
	v11 =	vadd.f32 v11, v5  }
0x6a: {  	v40 =	vmul.f32 v24, v2;
	v12 =	vadd.f32 v12, v4;
	v13 =	vadd.f32 v13, v5  }
0x6b: {  	v24 =	vmul.f32 v41, v3;
	v14 =	vadd.f32 v14, v4;
	v15 =	vadd.f32 v15, v5  }
0x6c: {  	v26 =	vmul.f32 v26, v3;
	v18 =	vadd.f32 v18, v4;
	v19 =	vadd.f32 v19, v5  }
0x6d: {  	v20 =	vadd.f32 v20, v4;
	v21 =	vadd.f32 v21, v5  }
0x6e: {  	v24 =	vadd.f32 v24, v6;
	v26 =	vadd.f32 v26, v6  }
0x6f: {  	v7 =	vadd.f32 $8.388608000e+06, v7;
	v8 =	vadd.f32 $8.388608000e+06, v8  }
0x70: {  	v9 =	vadd.f32 $8.388608000e+06, v9;
	v10 =	vadd.f32 $8.388608000e+06, v10  }
0x71: {  	v11 =	vadd.f32 $8.388608000e+06, v11;
	v12 =	vadd.f32 $8.388608000e+06, v12  }
0x72: {  	v13 =	vadd.f32 $8.388608000e+06, v13;
	v29 =	vadd.f32 $8.388608000e+06, v14  }
0x73: {  	v15 =	vadd.f32 $8.388608000e+06, v15;
	v18 =	vadd.f32 $8.388608000e+06, v18  }
0x74: {  	v16 =	vld [tilespmem:s11+$0xB0];
	v19 =	vadd.f32 $8.388608000e+06, v19;
	v20 =	vadd.f32 $8.388608000e+06, v20  }
0x75: {  	v17 =	vld [tilespmem:s11+$0x20B0];
	v21 =	vadd.f32 $8.388608000e+06, v21;
	v24 =	vadd.f32 $8.388608000e+06, v24  }
0x76: {  	v26 =	vadd.f32 $8.388608000e+06, v26;
	v7 =	vadd.f32 $-8.388608000e+06, v7  }
0x77: {  	v8 =	vadd.f32 $-8.388608000e+06, v8;
	v9 =	vadd.f32 $-8.388608000e+06, v9  }
0x78: {  	v10 =	vadd.f32 $-8.388608000e+06, v10;
	v11 =	vadd.f32 $-8.388608000e+06, v11  }
0x79: {  	v16 =	vmul.f32 v16, v1;
	v12 =	vadd.f32 $-8.388608000e+06, v12;
	v13 =	vadd.f32 $-8.388608000e+06, v13  }
0x7a: {  	v17 =	vmul.f32 v17, v2;
	v15 =	vadd.f32 $-8.388608000e+06, v15;
	v18 =	vadd.f32 $-8.388608000e+06, v18  }
0x7b: {  	v19 =	vadd.f32 $-8.388608000e+06, v19;
	v7 =	vtrunc.f32 v7;
	v8 =	vtrunc.f32 v8  }
0x7c: {  	v20 =	vadd.f32 $-8.388608000e+06, v20;
	v9 =	vtrunc.f32 v9;
	v10 =	vtrunc.f32 v10  }
0x7d: {  	v21 =	vadd.f32 $-8.388608000e+06, v21;
	v11 =	vtrunc.f32 v11;
	v12 =	vtrunc.f32 v12  }
0x7e: {  	v14 =	vld [tilespmem:s11+$0x40E0];
	v24 =	vadd.f32 $-8.388608000e+06, v24;
	v13 =	vtrunc.f32 v13;
	v15 =	vtrunc.f32 v15  }
0x7f: {  	v26 =	vadd.f32 $-8.388608000e+06, v26;
	v18 =	vtrunc.f32 v18;
	v19 =	vtrunc.f32 v19  }
0x80: {  	v20 =	vtrunc.f32 v20;
	v21 =	vtrunc.f32 v21  }
0x81: {  	v24 =	vtrunc.f32 v24;
	v26 =	vtrunc.f32 v26  }
0x82: {  	v7 =	vcvt.f32.s32 v7;
	v8 =	vcvt.f32.s32 v8  }
0x83: {  	v9 =	vcvt.f32.s32 v9;
	v14 =	vmul.f32 v14, v3  }
0x84: {  	v22 =	vld [tilespmem:s11+$0xE0];
	v10 =	vcvt.f32.s32 v10;
	v11 =	vcvt.f32.s32 v11  }
0x85: {  	v43 =	vld [tilespmem:s11+$0x40B0];
	v12 =	vcvt.f32.s32 v12;
	v13 =	vcvt.f32.s32 v13  }
0x86: {  	v15 =	vcvt.f32.s32 v15;
	v18 =	vcvt.f32.s32 v18  }
0x87: {  	v19 =	vcvt.f32.s32 v19;
	v20 =	vcvt.f32.s32 v20  }
0x88: {  	v46 =	vadd.f32 $-8.388608000e+06, v29;
	v21 =	vcvt.f32.s32 v21;
	v24 =	vcvt.f32.s32 v24  }
0x89: {  	v26 =	vcvt.f32.s32 v26;
	v23 =	vshll.u32 v7, $0x10;
	v25 =	vshll.u32 v8, $0x8  }
0x8a: {  	v42 =	vld [tilespmem:s11+$0x40A0];
	v7 =	vor.u32 v7, v8;
	v8 =	vmul.f32 v22, v1;
	v22 =	vmul.f32 v43, v3  }
0x8b: {  	v45 =	vadd.f32 v14, v6;
	v49 =	vshll.u32 v10, $0x10;
	v50 =	vshll.u32 v11, $0x8  }
0x8c: {  	v32 =	vshll.u32 v12, $0x10;
	v33 =	vshll.u32 v13, $0x8;
	v35 =	vshll.u32 v15, $0x8  }
0x8d: {  	v38 =	vshll.u32 v18, $0x10;
	v39 =	vshll.u32 v19, $0x8;
	v41 =	vshll.u32 v21, $0x8  }
0x8e: {  	v10 =	vor.u32 v10, v11;
	v11 =	vor.u32 v12, v13;
	v13 =	vor.u32 v18, v19  }
0x8f: {  	v23 =	vadd.s32 v23, v25;
	v7 =	vor.u32 v9, v7;
	v25 =	vmul.f32 v42, v3  }
0x90: {  	v32 =	vadd.s32 v32, v33;
	v23 =	vadd.s32 v9, v23;
	v9 =	vadd.f32 v16, v4  }
0x91: {  	v54 =	vadd.s32 v38, v39;
	v16 =	vadd.f32 v17, v5;
	v22 =	vadd.f32 v22, v6  }
0x92: {  	v32 =	vadd.s32 v24, v32;
	v58 =	vadd.s32 v26, v54;
	v24 =	vor.u32 v24, v11  }
0x93: {  	v26 =	vor.u32 v26, v13;
	vm0 =	vgt.s32 v23, $0x0;
	v25 =	vadd.f32 v25, v6  }
0x94: {  	v23 =	vnsel vm0, $0x0, v23;
	vm0 =	vlt.u32 v7, $0x100;
	v7 =	vadd.f32 v8, v4  }
0x95: {  	v28 =	vld [tilespmem:s11+$0x40D0];
	vm1 =	vgt.s32 v32, $0x0;
	v8 =	vadd.f32 v40, v5;
	v9 =	vadd.f32 $8.388608000e+06, v9  }
0x96: {  	vm4 =	vgt.s32 v58, $0x0;
	v16 =	vadd.f32 $8.388608000e+06, v16;
	v22 =	vadd.f32 $8.388608000e+06, v22  }
0x97: {  	v17 =	vld [tilespmem:s11+$0x4080];
	v40 =	vshll.u32 v20, $0x10;
	v18 =	vnsel vm1, $0x0, v32;
	v61 =	vnsel vm4, $0x0, v58  }
0x98: {  	vm4 =	vlt.u32 v24, $0x100;
	v23 =	vmin.u32 v23, $0xFFFFFF;
	v44 =	vsel vm0, $0x20, v0  }
0x99: {  	v25 =	vadd.f32 $8.388608000e+06, v25;
	v55 =	vadd.s32 v40, v41;
	v27 =	vand.u32 $0x1F, v23  }
0x9a: {  	v7 =	vadd.f32 $8.388608000e+06, v7;
	v30 =	vadd.f32 $8.388608000e+06, v8;
	v8 =	vmul.f32 v28, v3  }
0x9b: {  	v14 =	vshrl.u32 v23, $0x5;
	v9 =	vadd.f32 $-8.388608000e+06, v9;
	v16 =	vadd.f32 $-8.388608000e+06, v16  }
0x9c: {  	v23 =	vtrunc.f32 v46;
	v22 =	vadd.f32 $-8.388608000e+06, v22;
	v17 =	vmul.f32 v17, v3  }
0x9d: {  	v25 =	vadd.f32 $-8.388608000e+06, v25;
	v23 =	vcvt.f32.s32 v23;
	v31 =	vadd.f32 v8, v6  }
0x9e: {  	v8 =	vor.u32 v44, v27;
	v7 =	vadd.f32 $-8.388608000e+06, v7;
	v47 =	vadd.f32 $-8.388608000e+06, v30  }
0x9f: {  	v9 =	vtrunc.f32 v9;
	v16 =	vtrunc.f32 v16;
	v27 =	vadd.f32 $8.388608000e+06, v45  }
0xa0: {  	v22 =	vtrunc.f32 v22;
	v30 =	vadd.s32 v49, v50;
	v17 =	vadd.f32 v17, v6  }
0xa1: {  	v9 =	vcvt.f32.s32 v9;
	v16 =	vcvt.f32.s32 v16;
	v34 =	vshll.u32 v23, $0x10  }
0xa2: {  	v25 =	vtrunc.f32 v25;
	v22 =	vcvt.f32.s32 v22;
	v12 =	vor.u32 v23, v15  }
0xa3: {  	v15 =	vor.u32 v20, v21;
	v48 =	vadd.f32 $8.388608000e+06, v31;
	v7 =	vtrunc.f32 v7  }
0xa4: {  	v28 =	vtrunc.f32 v47;
	v27 =	vadd.f32 $-8.388608000e+06, v27;
	v25 =	vcvt.f32.s32 v25  }
0xa5: {  	v34 =	vadd.s32 v34, v35;
	v17 =	vadd.f32 $8.388608000e+06, v17;
	v7 =	vcvt.f32.s32 v7  }
0xa6: {  	v28 =	vcvt.f32.s32 v28;
	v36 =	vshll.u32 v9, $0x10;
	v37 =	vshll.u32 v16, $0x8  }
0xa7: {  	v9 =	vor.u32 v9, v16;
	v29 =	vadd.f32 $-8.388608000e+06, v48;
	v27 =	vtrunc.f32 v27  }
0xa8: {  	v53 =	vadd.s32 v36, v37;
	v56 =	vadd.s32 v25, v34;
	v25 =	vor.u32 v25, v12  }
0xa9: {  	v12 =	vmin.u32 v18, $0xFFFFFF;
	v17 =	vadd.f32 $-8.388608000e+06, v17;
	v51 =	vshll.u32 v7, $0x10  }
0xaa: {  	v52 =	vshll.u32 v28, $0x8;
	v27 =	vcvt.f32.s32 v27;
	v57 =	vadd.s32 v22, v53  }
0xab: {  	vm2 =	vgt.s32 v56, $0x0;
	v7 =	vor.u32 v7, v28;
	v22 =	vor.u32 v22, v9  }
0xac: {  	v9 =	vmin.u32 v61, $0xFFFFFF;
	v29 =	vtrunc.f32 v29;
	v31 =	vadd.s32 v51, v52  }
0xad: {  	vm3 =	vgt.s32 v57, $0x0;
	v19 =	vnsel vm2, $0x0, v56;
	vm1 =	vlt.u32 v22, $0x100  }
0xae: {  	vm2 =	vlt.u32 v26, $0x100;
	v17 =	vtrunc.f32 v17;
	v29 =	vcvt.f32.s32 v29  }
0xaf: {  	v31 =	vadd.s32 v27, v31;
	v60 =	vnsel vm3, $0x0, v57;
	v27 =	vor.u32 v27, v7  }
0xb0: {  	v11 =	vmin.u32 v19, $0xFFFFFF;
	v17 =	vcvt.f32.s32 v17;
	vm6 =	vgt.s32 v31, $0x0  }
0xb1: {  	vm3 =	vlt.u32 v25, $0x100;
	v59 =	vadd.s32 v29, v55;
	v63 =	vnsel vm6, $0x0, v31  }
0xb2: {  	v29 =	vor.u32 v29, v15;
	v30 =	vadd.s32 v17, v30;
	vm5 =	vgt.s32 v59, $0x0  }
0xb3: {  	v17 =	vor.u32 v17, v10;
	v10 =	vmin.u32 v60, $0xFFFFFF;
	vm0 =	vgt.s32 v30, $0x0  }
0xb4: {  	[tilespmem:s11+$0x80F0] =	vst v8;
	v8 =	vmin.u32 v63, $0xFFFFFF;
	v62 =	vnsel vm5, $0x0, v59;
	v16 =	vnsel vm0, $0x0, v30  }
0xb5: {  	s12 =	simm.s32 $0x80;
	[tilespmem:s11+$0x60F0] =	vst v14;
	vm6 =	vlt.u32 v17, $0x100;
	vm5 =	vlt.u32 v29, $0x100;
	v13 =	vmin.u32 v16, $0xFFFFFF  }
0xb6: {  	s13 =	simm.s32 $0x400;
	v15 =	vld [tilespmem:s12+$0xF0];
	v7 =	vmin.u32 v62, $0xFFFFFF;
	vm0 =	vlt.u32 v27, $0x100;
	v16 =	vand.u32 $0x1F, v13  }
.LBB2_3:
0xb7: {  	p0 =	sne.s32 s13, $0x7E00;
	v17 =	vld [tilespmem:s12+$0x20F0];
	v18 =	vand.u32 $0x1F, v12;
	v19 =	vand.u32 $0x1F, v11;
	v20 =	vand.u32 $0x1F, v10  }
0xb8: {  	v22 =	vand.u32 $0x1F, v9;
	v23 =	vand.u32 $0x1F, v7;
	v14 =	vand.u32 $0x1F, v8;
	v21 =	vld [tilespmem:s12+$0x40F0]  }
0xb9: {  	v25 =	vsel vm6, $0x20, v0;
	v26 =	vsel vm4, $0x20, v0;
	v27 =	vsel vm3, $0x20, v0;
	v24 =	vld [tilespmem:s12+$0x80]  }
0xba: {  	v29 =	vsel vm1, $0x20, v0;
	v30 =	vsel vm2, $0x20, v0;
	v31 =	vsel vm5, $0x20, v0;
	v28 =	vld [tilespmem:s12+$0x2080]  }
0xbb: {  	v16 =	vor.u32 v25, v16;
	v18 =	vor.u32 v26, v18;
	v25 =	vsel vm0, $0x20, v0;
	v32 =	vld [tilespmem:s12+$0x90]  }
0xbc: {  	v15 =	vmul.f32 v15, v1;
	v26 =	vld [tilespmem:s12+$0x2090];
	v17 =	vmul.f32 v17, v2;
	[tilespmem:s11+$0x8080] =	vst v16;
	v16 =	vor.u32 v27, v19  }
0xbd: {  	v19 =	vld [tilespmem:s12+$0xA0];
	v21 =	vmul.f32 v21, v3;
	[tilespmem:s11+$0x8090] =	vst v18;
	v18 =	vor.u32 v29, v20;
	v20 =	vor.u32 v30, v22  }
0xbe: {  	v15 =	vadd.f32 v15, v4;
	v22 =	vmul.f32 v24, v1;
	v24 =	vld [tilespmem:s12+$0x20A0];
	v17 =	vadd.f32 v17, v5;
	[tilespmem:s11+$0x80A0] =	vst v16  }
0xbf: {  	v16 =	vmul.f32 v28, v2;
	v27 =	vld [tilespmem:s12+$0xB0];
	v21 =	vadd.f32 v21, v6;
	[tilespmem:s11+$0x80B0] =	vst v18;
	v18 =	vor.u32 v31, v23  }
0xc0: {  	v15 =	vadd.f32 $8.388608000e+06, v15;
	v23 =	vmul.f32 v32, v1;
	v28 =	vld [tilespmem:s12+$0x20B0];
	v17 =	vadd.f32 $8.388608000e+06, v17;
	[tilespmem:s11+$0x80C0] =	vst v20  }
0xc1: {  	v20 =	vadd.f32 v22, v4;
	v22 =	vmul.f32 v26, v2;
	v26 =	vld [tilespmem:s12+$0xC0];
	v21 =	vadd.f32 $8.388608000e+06, v21;
	[tilespmem:s11+$0x80D0] =	vst v18  }
0xc2: {  	v15 =	vadd.f32 $-8.388608000e+06, v15;
	v18 =	vmul.f32 v19, v1;
	v19 =	vld [tilespmem:s12+$0x20C0];
	v17 =	vadd.f32 $-8.388608000e+06, v17  }
0xc3: {  	v16 =	vadd.f32 v16, v5;
	v23 =	vadd.f32 v23, v4;
	v24 =	vmul.f32 v24, v2;
	v29 =	vld [tilespmem:s12+$0xD0]  }
0xc4: {  	v21 =	vadd.f32 $-8.388608000e+06, v21;
	v15 =	vtrunc.f32 v15;
	v30 =	vld [tilespmem:s12+$0x20D0];
	v17 =	vtrunc.f32 v17  }
0xc5: {  	v22 =	vadd.f32 v22, v5;
	v15 =	vcvt.f32.s32 v15;
	v31 =	vld [tilespmem:s12+$0xE0];
	v17 =	vcvt.f32.s32 v17  }
0xc6: {  	v18 =	vadd.f32 v18, v4;
	v27 =	vmul.f32 v27, v1;
	v21 =	vtrunc.f32 v21;
	v32 =	vld [tilespmem:s12+$0x20E0]  }
0xc7: {  	v21 =	vcvt.f32.s32 v21;
	v34 =	vshll.u32 v15, $0x10;
	v33 =	vld [tilespmem:s12+$0x4080];
	v35 =	vshll.u32 v17, $0x8  }
0xc8: {  	v28 =	vmul.f32 v28, v2;
	v26 =	vmul.f32 v26, v1;
	v36 =	vld [tilespmem:s12+$0x4090];
	v34 =	vadd.s32 v34, v35  }
0xc9: {  	v19 =	vmul.f32 v19, v2;
	v29 =	vmul.f32 v29, v1;
	v35 =	vld [tilespmem:s12+$0x40A0];
	v34 =	vadd.s32 v21, v34  }
0xca: {  	v15 =	vor.u32 v15, v17;
	v30 =	vmul.f32 v30, v2;
	v37 =	vld [tilespmem:s12+$0x40B0];
	vm0 =	vgt.s32 v34, $0x0  }
0xcb: {  	v15 =	vor.u32 v21, v15;
	v31 =	vmul.f32 v31, v1;
	v17 =	vld [tilespmem:s12+$0x40C0];
	v21 =	vnsel vm0, $0x0, v34  }
0xcc: {  	v32 =	vmul.f32 v32, v2;
	vm0 =	vlt.u32 v15, $0x100;
	v34 =	vld [tilespmem:s12+$0x40D0];
	v15 =	vmin.u32 v21, $0xFFFFFF  }
0xcd: {  	v21 =	vadd.f32 v24, v5;
	v39 =	vsel vm0, $0x20, v0;
	v24 =	vld [tilespmem:s12+$0x40E0];
	v38 =	vand.u32 $0x1F, v15  }
0xce: {  	v27 =	vadd.f32 v27, v4;
	v28 =	vadd.f32 v28, v5;
	v38 =	vor.u32 v39, v38  }
0xcf: {  	v26 =	vadd.f32 v26, v4;
	v19 =	vadd.f32 v19, v5;
	v33 =	vmul.f32 v33, v3;
	[tilespmem:s12+$0x80F0] =	vst v38  }
0xd0: {  	v29 =	vadd.f32 v29, v4;
	v30 =	vadd.f32 v30, v5;
	v36 =	vmul.f32 v36, v3  }
0xd1: {  	v31 =	vadd.f32 v31, v4;
	v32 =	vadd.f32 v32, v5;
	v35 =	vmul.f32 v35, v3  }
0xd2: {  	v20 =	vadd.f32 $8.388608000e+06, v20;
	v37 =	vmul.f32 v37, v3;
	v17 =	vmul.f32 v17, v3  }
0xd3: {  	v16 =	vadd.f32 $8.388608000e+06, v16;
	v34 =	vmul.f32 v34, v3;
	v24 =	vmul.f32 v24, v3  }
0xd4: {  	v14 =	vor.u32 v25, v14;
	v23 =	vadd.f32 $8.388608000e+06, v23;
	v22 =	vadd.f32 $8.388608000e+06, v22  }
0xd5: {  	v13 =	vshrl.u32 v13, $0x5;
	v18 =	vadd.f32 $8.388608000e+06, v18;
	v21 =	vadd.f32 $8.388608000e+06, v21;
	[tilespmem:s11+$0x80E0] =	vst v14  }
0xd6: {  	v12 =	vshrl.u32 v12, $0x5;
	v25 =	vadd.f32 $8.388608000e+06, v28;
	v14 =	vadd.f32 $8.388608000e+06, v27;
	[tilespmem:s11+$0x6080] =	vst v13  }
0xd7: {  	v11 =	vshrl.u32 v11, $0x5;
	v19 =	vadd.f32 $8.388608000e+06, v19;
	v13 =	vadd.f32 $8.388608000e+06, v26;
	[tilespmem:s11+$0x6090] =	vst v12  }
0xd8: {  	v10 =	vshrl.u32 v10, $0x5;
	v26 =	vadd.f32 $8.388608000e+06, v30;
	v12 =	vadd.f32 $8.388608000e+06, v29;
	[tilespmem:s11+$0x60A0] =	vst v11  }
0xd9: {  	v9 =	vshrl.u32 v9, $0x5;
	v27 =	vadd.f32 $8.388608000e+06, v32;
	v11 =	vadd.f32 $8.388608000e+06, v31;
	[tilespmem:s11+$0x60B0] =	vst v10  }
0xda: {  	v7 =	vshrl.u32 v7, $0x5;
	v28 =	vadd.f32 v36, v6;
	v10 =	vadd.f32 v33, v6;
	[tilespmem:s11+$0x60C0] =	vst v9  }
0xdb: {  	v29 =	vadd.f32 v37, v6;
	v9 =	vadd.f32 v35, v6;
	[tilespmem:s11+$0x60D0] =	vst v7;
	v7 =	vshrl.u32 v8, $0x5  }
0xdc: {  	v15 =	vshrl.u32 v15, $0x5;
	v8 =	vadd.f32 v17, v6;
	v17 =	vadd.f32 v34, v6;
	[tilespmem:s11+$0x60E0] =	vst v7;
	s11 =	smov.u32 s12  }
0xdd: {  	v7 =	vadd.f32 $-8.388608000e+06, v20;
	v20 =	vadd.f32 v24, v6;
	[tilespmem:s11+$0x60F0] =	vst v15  }
0xde: {  	v15 =	vadd.f32 $-8.388608000e+06, v16;
	v16 =	vadd.f32 $-8.388608000e+06, v23  }
0xdf: {  	v22 =	vadd.f32 $-8.388608000e+06, v22;
	v18 =	vadd.f32 $-8.388608000e+06, v18;
	v7 =	vtrunc.f32 v7  }
0xe0: {  	v21 =	vadd.f32 $-8.388608000e+06, v21;
	v14 =	vadd.f32 $-8.388608000e+06, v14;
	v15 =	vtrunc.f32 v15  }
0xe1: {  	v13 =	vadd.f32 $-8.388608000e+06, v13;
	v23 =	vadd.f32 $-8.388608000e+06, v25;
	v16 =	vtrunc.f32 v16  }
0xe2: {  	v22 =	vtrunc.f32 v22;
	v19 =	vadd.f32 $-8.388608000e+06, v19;
	v12 =	vadd.f32 $-8.388608000e+06, v12  }
0xe3: {  	v18 =	vtrunc.f32 v18;
	v11 =	vadd.f32 $-8.388608000e+06, v11;
	v24 =	vadd.f32 $-8.388608000e+06, v26  }
0xe4: {  	v21 =	vtrunc.f32 v21;
	v10 =	vadd.f32 $8.388608000e+06, v10;
	v25 =	vadd.f32 $-8.388608000e+06, v27  }
0xe5: {  	v14 =	vtrunc.f32 v14;
	v26 =	vadd.f32 $8.388608000e+06, v28;
	v9 =	vadd.f32 $8.388608000e+06, v9  }
0xe6: {  	v27 =	vadd.f32 $8.388608000e+06, v29;
	v8 =	vadd.f32 $8.388608000e+06, v8;
	v23 =	vtrunc.f32 v23  }
0xe7: {  	v13 =	vtrunc.f32 v13;
	v17 =	vadd.f32 $8.388608000e+06, v17;
	v20 =	vadd.f32 $8.388608000e+06, v20  }
0xe8: {  	v19 =	vtrunc.f32 v19;
	v12 =	vtrunc.f32 v12;
	v10 =	vadd.f32 $-8.388608000e+06, v10  }
0xe9: {  	v11 =	vtrunc.f32 v11;
	v26 =	vadd.f32 $-8.388608000e+06, v26;
	v24 =	vtrunc.f32 v24  }
0xea: {  	v9 =	vadd.f32 $-8.388608000e+06, v9;
	v27 =	vadd.f32 $-8.388608000e+06, v27;
	v25 =	vtrunc.f32 v25  }
0xeb: {  	v7 =	vcvt.f32.s32 v7;
	v8 =	vadd.f32 $-8.388608000e+06, v8;
	v17 =	vadd.f32 $-8.388608000e+06, v17  }
0xec: {  	v15 =	vcvt.f32.s32 v15;
	v16 =	vcvt.f32.s32 v16;
	v20 =	vadd.f32 $-8.388608000e+06, v20  }
0xed: {  	v22 =	vcvt.f32.s32 v22;
	v18 =	vcvt.f32.s32 v18;
	v28 =	vshll.u32 v7, $0x10  }
0xee: {  	v21 =	vcvt.f32.s32 v21;
	v14 =	vcvt.f32.s32 v14;
	v29 =	vshll.u32 v15, $0x8  }
0xef: {  	v13 =	vcvt.f32.s32 v13;
	v23 =	vcvt.f32.s32 v23;
	v30 =	vshll.u32 v16, $0x10  }
0xf0: {  	v19 =	vcvt.f32.s32 v19;
	v31 =	vshll.u32 v22, $0x8;
	v12 =	vcvt.f32.s32 v12  }
0xf1: {  	v32 =	vshll.u32 v18, $0x10;
	v11 =	vcvt.f32.s32 v11;
	v24 =	vcvt.f32.s32 v24  }
0xf2: {  	v33 =	vshll.u32 v21, $0x8;
	v10 =	vtrunc.f32 v10;
	v25 =	vcvt.f32.s32 v25  }
0xf3: {  	v34 =	vshll.u32 v14, $0x10;
	v26 =	vtrunc.f32 v26;
	v9 =	vtrunc.f32 v9  }
0xf4: {  	v27 =	vtrunc.f32 v27;
	v8 =	vtrunc.f32 v8;
	v35 =	vshll.u32 v23, $0x8  }
0xf5: {  	v36 =	vshll.u32 v13, $0x10;
	v17 =	vtrunc.f32 v17;
	v20 =	vtrunc.f32 v20  }
0xf6: {  	v37 =	vshll.u32 v19, $0x8;
	v38 =	vshll.u32 v12, $0x10;
	v39 =	vshll.u32 v24, $0x8  }
0xf7: {  	v40 =	vshll.u32 v11, $0x10;
	v10 =	vcvt.f32.s32 v10;
	v41 =	vshll.u32 v25, $0x8  }
0xf8: {  	v26 =	vcvt.f32.s32 v26;
	v9 =	vcvt.f32.s32 v9;
	v28 =	vadd.s32 v28, v29  }
0xf9: {  	v27 =	vcvt.f32.s32 v27;
	v8 =	vcvt.f32.s32 v8;
	v29 =	vadd.s32 v30, v31  }
0xfa: {  	v17 =	vcvt.f32.s32 v17;
	v30 =	vadd.s32 v32, v33;
	v20 =	vcvt.f32.s32 v20  }
0xfb: {  	v31 =	vadd.s32 v34, v35;
	v32 =	vadd.s32 v36, v37;
	v33 =	vadd.s32 v38, v39  }
0xfc: {  	v34 =	vadd.s32 v40, v41;
	v28 =	vadd.s32 v10, v28;
	v29 =	vadd.s32 v26, v29  }
0xfd: {  	v30 =	vadd.s32 v9, v30;
	v31 =	vadd.s32 v27, v31;
	v32 =	vadd.s32 v8, v32  }
0xfe: {  	v33 =	vadd.s32 v17, v33;
	vm0 =	vgt.s32 v28, $0x0;
	v34 =	vadd.s32 v20, v34  }
0xff: {  	vm1 =	vgt.s32 v29, $0x0;
	vm2 =	vgt.s32 v30, $0x0;
	vm3 =	vgt.s32 v31, $0x0  }
0x100: {  	vm4 =	vgt.s32 v32, $0x0;
	vm5 =	vgt.s32 v33, $0x0;
	vm6 =	vgt.s32 v34, $0x0  }
0x101: {  	v7 =	vor.u32 v7, v15;
	v15 =	vor.u32 v16, v22;
	v16 =	vor.u32 v18, v21  }
0x102: {  	v13 =	vor.u32 v13, v19;
	v12 =	vor.u32 v12, v24;
	v14 =	vor.u32 v14, v23  }
0x103: {  	v11 =	vor.u32 v11, v25;
	v18 =	vnsel vm0, $0x0, v28;
	v19 =	vnsel vm1, $0x0, v29  }
0x104: {  	v21 =	vnsel vm2, $0x0, v30;
	v22 =	vnsel vm3, $0x0, v31;
	v23 =	vnsel vm4, $0x0, v32  }
0x105: {  	v24 =	vor.u32 v10, v7;
	v7 =	vnsel vm5, $0x0, v33;
	v25 =	vnsel vm6, $0x0, v34  }
0x106: {  	v15 =	vor.u32 v26, v15;
	v16 =	vor.u32 v9, v16;
	v14 =	vor.u32 v27, v14  }
0x107: {  	v26 =	vor.u32 v8, v13;
	v17 =	vor.u32 v17, v12;
	v20 =	vor.u32 v20, v11  }
.Ltmp0:
0x108: {  	v13 =	vmin.u32 v18, $0xFFFFFF;
	v12 =	vmin.u32 v19, $0xFFFFFF;
	v11 =	vmin.u32 v21, $0xFFFFFF;
	(pc) =	sbr.rel @p0 .LBB2_3-.Ltmp0, $4  }
0x109: {  	v10 =	vmin.u32 v22, $0xFFFFFF;
	v9 =	vmin.u32 v23, $0xFFFFFF;
	v7 =	vmin.u32 v7, $0xFFFFFF  }
0x10a: {  	vm4 =	vlt.u32 v15, $0x100;
	vm6 =	vlt.u32 v24, $0x100;
	v8 =	vmin.u32 v25, $0xFFFFFF  }
0x10b: {  	s12 =	sshra.s32 s13, $0x2;
	vm3 =	vlt.u32 v16, $0x100;
	vm1 =	vlt.u32 v14, $0x100;
	vm2 =	vlt.u32 v26, $0x100  }
0x10c: {  	s13 =	sadd.s32 $0x200, s13;
	vm5 =	vlt.u32 v17, $0x100;
	vm0 =	vlt.u32 v20, $0x100;
	v16 =	vand.u32 $0x1F, v13;
	v15 =	vld [tilespmem:s12+$0xF0]  }
0x10d: {  	v20 =	vsel vm6, $0x20, v0;
	v22 =	vand.u32 $0x1F, v12  }
0x10e: {  	v14 =	vld [tilespmem:s12+$0x20F0];
	v23 =	vand.u32 $0x1F, v11;
	v24 =	vsel vm4, $0x20, v0;
	v25 =	vand.u32 $0x1F, v9  }
0x10f: {  	v17 =	vld [tilespmem:s12+$0x40F0];
	v26 =	vand.u32 $0x1F, v7;
	v27 =	vand.u32 $0x1F, v8;
	v28 =	vsel vm3, $0x20, v0  }
0x110: {  	v18 =	vld [tilespmem:s12+$0x80];
	v29 =	vsel vm2, $0x20, v0;
	v30 =	vsel vm5, $0x20, v0;
	v13 =	vshrl.u32 v13, $0x5  }
0x111: {  	v19 =	vld [tilespmem:s12+$0x2080];
	v12 =	vshrl.u32 v12, $0x5;
	v11 =	vshrl.u32 v11, $0x5;
	v9 =	vshrl.u32 v9, $0x5  }
0x112: {  	v21 =	vld [tilespmem:s12+$0x90];
	v7 =	vshrl.u32 v7, $0x5;
	v16 =	vor.u32 v20, v16;
	v22 =	vor.u32 v24, v22  }
0x113: {  	v20 =	vld [tilespmem:s12+$0x2090];
	v23 =	vor.u32 v28, v23;
	v25 =	vor.u32 v29, v25;
	v26 =	vor.u32 v30, v26;
	[tilespmem:s11+$0x8080] =	vst v16  }
0x114: {  	v16 =	vand.u32 $0x1F, v10;
	v24 =	vld [tilespmem:s12+$0xA0];
	[tilespmem:s11+$0x8090] =	vst v22;
	v22 =	vsel vm1, $0x20, v0;
	v15 =	vmul.f32 v15, v1  }
0x115: {  	v49 =	vld [tilespmem:s12+$0x20A0];
	[tilespmem:s11+$0x80A0] =	vst v23;
	v16 =	vor.u32 v22, v16;
	v14 =	vmul.f32 v14, v2;
	v17 =	vmul.f32 v17, v3  }
0x116: {  	v22 =	vld [tilespmem:s12+$0xB0];
	[tilespmem:s11+$0x80B0] =	vst v16;
	v16 =	vmul.f32 v18, v1;
	v18 =	vmul.f32 v19, v2;
	v15 =	vadd.f32 v15, v4  }
0x117: {  	v21 =	vmul.f32 v21, v1;
	v19 =	vld [tilespmem:s12+$0x20B0];
	[tilespmem:s11+$0x80C0] =	vst v25;
	v14 =	vadd.f32 v14, v5;
	v17 =	vadd.f32 v17, v6  }
0x118: {  	v20 =	vmul.f32 v20, v2;
	v16 =	vadd.f32 v16, v4;
	v25 =	vld [tilespmem:s12+$0xC0];
	[tilespmem:s11+$0x80D0] =	vst v26;
	v18 =	vadd.f32 v18, v5  }
0x119: {  	v8 =	vshrl.u32 v8, $0x5;
	v21 =	vadd.f32 v21, v4;
	v15 =	vadd.f32 $8.388608000e+06, v15;
	v26 =	vld [tilespmem:s12+$0x20C0]  }
0x11a: {  	v10 =	vshrl.u32 v10, $0x5;
	v50 =	vld [tilespmem:s12+$0xD0];
	v20 =	vadd.f32 v20, v5;
	v14 =	vadd.f32 $8.388608000e+06, v14  }
0x11b: {  	v24 =	vmul.f32 v24, v1;
	v51 =	vld [tilespmem:s12+$0x20D0];
	v17 =	vadd.f32 $8.388608000e+06, v17;
	v16 =	vadd.f32 $8.388608000e+06, v16  }
0x11c: {  	v23 =	vsel vm0, $0x20, v0;
	v31 =	vld [tilespmem:s12+$0xE0];
	v18 =	vadd.f32 $8.388608000e+06, v18;
	v21 =	vadd.f32 $8.388608000e+06, v21  }
0x11d: {  	v33 =	vld [tilespmem:s12+$0x20E0];
	v28 =	vmul.f32 v49, v2;
	v15 =	vadd.f32 $-8.388608000e+06, v15;
	v24 =	vadd.f32 v24, v4  }
0x11e: {  	v54 =	vld [tilespmem:s12+$0x4090];
	v22 =	vmul.f32 v22, v1;
	v20 =	vadd.f32 $8.388608000e+06, v20;
	v14 =	vadd.f32 $-8.388608000e+06, v14  }
0x11f: {  	v35 =	vld [tilespmem:s12+$0x40B0];
	v17 =	vadd.f32 $-8.388608000e+06, v17;
	v19 =	vmul.f32 v19, v2;
	v15 =	vtrunc.f32 v15  }
0x120: {  	v37 =	vld [tilespmem:s12+$0x40C0];
	v39 =	vadd.f32 $-8.388608000e+06, v16;
	v25 =	vmul.f32 v25, v1;
	v14 =	vtrunc.f32 v14  }
0x121: {  	v38 =	vld [tilespmem:s12+$0x40E0];
	v16 =	vor.u32 v23, v27;
	v15 =	vcvt.f32.s32 v15;
	v17 =	vtrunc.f32 v17  }
0x122: {  	v18 =	vadd.f32 $-8.388608000e+06, v18;
	v26 =	vmul.f32 v26, v2;
	v29 =	vmul.f32 v50, v1  }
0x123: {  	v21 =	vadd.f32 $-8.388608000e+06, v21;
	v30 =	vmul.f32 v51, v2;
	v31 =	vmul.f32 v31, v1  }
0x124: {  	v22 =	vadd.f32 v22, v4;
	v52 =	vmul.f32 v33, v2;
	v33 =	vmul.f32 v54, v3  }
0x125: {  	v24 =	vadd.f32 $8.388608000e+06, v24;
	v35 =	vmul.f32 v35, v3;
	v37 =	vmul.f32 v37, v3  }
0x126: {  	v20 =	vadd.f32 $-8.388608000e+06, v20;
	v38 =	vmul.f32 v38, v3;
	v23 =	vtrunc.f32 v39  }
0x127: {  	v19 =	vadd.f32 v19, v5;
	v18 =	vtrunc.f32 v18;
	v21 =	vtrunc.f32 v21  }
0x128: {  	v14 =	vcvt.f32.s32 v14;
	v17 =	vcvt.f32.s32 v17;
	v25 =	vadd.f32 v25, v4  }
0x129: {  	v22 =	vadd.f32 $8.388608000e+06, v22;
	v24 =	vadd.f32 $-8.388608000e+06, v24;
	v20 =	vtrunc.f32 v20  }
0x12a: {  	v23 =	vcvt.f32.s32 v23;
	v26 =	vadd.f32 v26, v5;
	v29 =	vadd.f32 v29, v4  }
0x12b: {  	v18 =	vcvt.f32.s32 v18;
	v30 =	vadd.f32 v30, v5;
	v31 =	vadd.f32 v31, v4  }
0x12c: {  	v21 =	vcvt.f32.s32 v21;
	v19 =	vadd.f32 $8.388608000e+06, v19;
	v33 =	vadd.f32 v33, v6  }
0x12d: {  	v32 =	vshll.u32 v15, $0x10;
	v35 =	vadd.f32 v35, v6;
	v59 =	vadd.f32 v37, v6  }
0x12e: {  	v55 =	vld [tilespmem:s12+$0x40A0];
	v20 =	vcvt.f32.s32 v20;
	v38 =	vadd.f32 v38, v6;
	v34 =	vshll.u32 v14, $0x8  }
0x12f: {  	v14 =	vor.u32 v15, v14;
	v25 =	vadd.f32 $8.388608000e+06, v25;
	v22 =	vadd.f32 $-8.388608000e+06, v22  }
0x130: {  	v24 =	vtrunc.f32 v24;
	v60 =	vshll.u32 v23, $0x10;
	v61 =	vshll.u32 v18, $0x8  }
0x131: {  	v40 =	vshll.u32 v21, $0x10;
	v18 =	vor.u32 v23, v18;
	v32 =	vadd.s32 v32, v34  }
0x132: {  	v14 =	vor.u32 v17, v14;
	v26 =	vadd.f32 $8.388608000e+06, v26;
	v29 =	vadd.f32 $8.388608000e+06, v29  }
0x133: {  	v34 =	vmul.f32 v55, v3;
	v30 =	vadd.f32 $8.388608000e+06, v30;
	v31 =	vadd.f32 $8.388608000e+06, v31  }
0x134: {  	v19 =	vadd.f32 $-8.388608000e+06, v19;
	v24 =	vcvt.f32.s32 v24;
	v41 =	vshll.u32 v20, $0x8  }
0x135: {  	v37 =	vadd.s32 v60, v61;
	v20 =	vor.u32 v21, v20;
	v55 =	vadd.f32 $8.388608000e+06, v38  }
0x136: {  	v32 =	vadd.s32 v17, v32;
	v17 =	vadd.f32 v28, v5;
	vm11 =	vlt.u32 v14, $0x100  }
0x137: {  	v53 =	vld [tilespmem:s12+$0x4080];
	v28 =	vadd.f32 v52, v5;
	v25 =	vadd.f32 $-8.388608000e+06, v25;
	v22 =	vtrunc.f32 v22  }
0x138: {  	v40 =	vadd.s32 v40, v41;
	v52 =	vadd.f32 $8.388608000e+06, v33;
	vm10 =	vgt.s32 v32, $0x0  }
0x139: {  	v36 =	vsel vm11, $0x20, v0;
	v34 =	vadd.f32 v34, v6;
	v26 =	vadd.f32 $-8.388608000e+06, v26  }
0x13a: {  	v27 =	vadd.f32 $-8.388608000e+06, v29;
	v57 =	vadd.f32 $-8.388608000e+06, v30;
	v19 =	vtrunc.f32 v19  }
0x13b: {  	v58 =	vadd.f32 $-8.388608000e+06, v31;
	v22 =	vcvt.f32.s32 v22;
	v42 =	vshll.u32 v24, $0x10  }
0x13c: {  	v15 =	vnsel vm10, $0x0, v32;
	v32 =	vmul.f32 v53, v3;
	v17 =	vadd.f32 $8.388608000e+06, v17  }
0x13d: {  	v28 =	vadd.f32 $8.388608000e+06, v28;
	v25 =	vtrunc.f32 v25;
	v19 =	vcvt.f32.s32 v19  }
0x13e: {  	v53 =	vadd.f32 $8.388608000e+06, v35;
	v26 =	vtrunc.f32 v26;
	v27 =	vtrunc.f32 v27  }
0x13f: {  	v15 =	vmin.u32 v15, $0xFFFFFF;
	v29 =	vtrunc.f32 v57;
	v30 =	vtrunc.f32 v58  }
0x140: {  	v56 =	vld [tilespmem:s12+$0x40D0];
	v25 =	vcvt.f32.s32 v25;
	v44 =	vshll.u32 v22, $0x10;
	v21 =	vadd.f32 $8.388608000e+06, v34  }
0x141: {  	v34 =	vadd.f32 $-8.388608000e+06, v55;
	v14 =	vand.u32 $0x1F, v15;
	v32 =	vadd.f32 v32, v6  }
0x142: {  	v17 =	vadd.f32 $-8.388608000e+06, v17;
	v26 =	vcvt.f32.s32 v26;
	v27 =	vcvt.f32.s32 v27  }
0x143: {  	v28 =	vadd.f32 $-8.388608000e+06, v28;
	v29 =	vcvt.f32.s32 v29;
	v30 =	vcvt.f32.s32 v30  }
0x144: {  	v45 =	vshll.u32 v19, $0x8;
	v33 =	vadd.f32 $-8.388608000e+06, v53;
	v15 =	vshrl.u32 v15, $0x5  }
0x145: {  	v19 =	vor.u32 v22, v19;
	v14 =	vor.u32 v36, v14;
	v36 =	vmul.f32 v56, v3  }
0x146: {  	v62 =	vshll.u32 v25, $0x10;
	v44 =	vadd.s32 v44, v45;
	v34 =	vtrunc.f32 v34  }
0x147: {  	v21 =	vadd.f32 $-8.388608000e+06, v21;
	v17 =	vtrunc.f32 v17;
	v28 =	vtrunc.f32 v28  }
0x148: {  	v63 =	vshll.u32 v26, $0x8;
	v48 =	vshll.u32 v27, $0x10;
	v49 =	vshll.u32 v29, $0x8  }
0x149: {  	v50 =	vshll.u32 v30, $0x10;
	v23 =	vadd.f32 $8.388608000e+06, v32;
	v32 =	vadd.f32 $-8.388608000e+06, v52  }
0x14a: {  	v33 =	vtrunc.f32 v33;
	v34 =	vcvt.f32.s32 v34;
	v25 =	vor.u32 v25, v26  }
0x14b: {  	v26 =	vor.u32 v27, v29;
	v17 =	vcvt.f32.s32 v17;
	v28 =	vcvt.f32.s32 v28  }
0x14c: {  	v39 =	vadd.s32 v62, v63;
	v36 =	vadd.f32 v36, v6;
	v21 =	vtrunc.f32 v21  }
0x14d: {  	v33 =	vcvt.f32.s32 v33;
	v23 =	vadd.f32 $-8.388608000e+06, v23;
	v32 =	vtrunc.f32 v32  }
0x14e: {  	v21 =	vcvt.f32.s32 v21;
	v43 =	vshll.u32 v17, $0x8;
	v51 =	vshll.u32 v28, $0x8  }
0x14f: {  	[tilespmem:s12+$0x80F0] =	vst v14;
	v17 =	vor.u32 v24, v17;
	v24 =	vadd.f32 $8.388608000e+06, v59;
	v54 =	vadd.f32 $8.388608000e+06, v36  }
0x150: {  	[tilespmem:s11+$0x80E0] =	vst v16;
	v32 =	vcvt.f32.s32 v32;
	v59 =	vadd.s32 v33, v44;
	v28 =	vor.u32 v30, v28  }
0x151: {  	[tilespmem:s11+$0x6080] =	vst v13;
	v42 =	vadd.s32 v42, v43;
	v43 =	vadd.s32 v48, v49;
	v41 =	vadd.s32 v50, v51  }
0x152: {  	[tilespmem:s11+$0x6090] =	vst v12;
	v23 =	vtrunc.f32 v23;
	vm15 =	vgt.s32 v59, $0x0;
	v13 =	vor.u32 v21, v17  }
0x153: {  	[tilespmem:s11+$0x60A0] =	vst v11;
	v17 =	vor.u32 v33, v19;
	v24 =	vadd.f32 $-8.388608000e+06, v24;
	v31 =	vadd.f32 $-8.388608000e+06, v54  }
0x154: {  	[tilespmem:s11+$0x60B0] =	vst v10;
	v23 =	vcvt.f32.s32 v23;
	v57 =	vadd.s32 v32, v40;
	v58 =	vadd.s32 v21, v42  }
0x155: {  	[tilespmem:s11+$0x60C0] =	vst v9;
	v60 =	vadd.s32 v34, v41;
	v14 =	vnsel vm15, $0x0, v59;
	v20 =	vor.u32 v32, v20  }
0x156: {  	[tilespmem:s11+$0x60D0] =	vst v7;
	v21 =	vor.u32 v34, v28;
	vm11 =	vlt.u32 v13, $0x100;
	vm13 =	vgt.s32 v57, $0x0  }
0x157: {  	[tilespmem:s11+$0x60E0] =	vst v8;
	vm14 =	vgt.s32 v58, $0x0;
	vm8 =	vgt.s32 v60, $0x0;
	v14 =	vmin.u32 v14, $0xFFFFFF  }
0x158: {  	[tilespmem:s12+$0x60F0] =	vst v15;
	vm10 =	vlt.u32 v20, $0x100;
	vm15 =	vlt.u32 v21, $0x100;
	v15 =	vsel vm11, $0x20, v0  }
0x159: {  	v24 =	vtrunc.f32 v24;
	v31 =	vtrunc.f32 v31;
	v56 =	vadd.s32 v23, v37  }
0x15a: {  	v61 =	vnsel vm13, $0x0, v57;
	v62 =	vnsel vm14, $0x0, v58;
	v18 =	vor.u32 v23, v18  }
0x15b: {  	v13 =	vsel vm10, $0x20, v0;
	v24 =	vcvt.f32.s32 v24;
	v31 =	vcvt.f32.s32 v31  }
0x15c: {  	vm12 =	vgt.s32 v56, $0x0;
	v11 =	vmin.u32 v61, $0xFFFFFF;
	vm9 =	vlt.u32 v18, $0x100  }
0x15d: {  	v27 =	vnsel vm12, $0x0, v56;
	vm12 =	vlt.u32 v17, $0x100;
	v8 =	vsel vm9, $0x20, v0  }
0x15e: {  	v39 =	vadd.s32 v24, v39;
	v22 =	vadd.s32 v31, v43;
	v19 =	vor.u32 v24, v25  }
0x15f: {  	v12 =	vor.u32 v31, v26;
	v23 =	vmin.u32 v27, $0xFFFFFF;
	v24 =	vmin.u32 v62, $0xFFFFFF  }
0x160: {  	vm6 =	vgt.s32 v39, $0x0;
	vm7 =	vgt.s32 v22, $0x0;
	vm13 =	vlt.u32 v19, $0x100  }
0x161: {  	v7 =	vand.u32 $0x1F, v23;
	vm14 =	vlt.u32 v12, $0x100;
	v12 =	vand.u32 $0x1F, v11  }
0x162: {  	v63 =	vnsel vm6, $0x0, v39;
	v16 =	vnsel vm7, $0x0, v22;
	v22 =	vnsel vm8, $0x0, v60  }
0x163: {  	v7 =	vor.u32 v8, v7;
	v8 =	vand.u32 $0x1F, v24;
	v12 =	vor.u32 v13, v12  }
0x164: {  	v13 =	vsel vm12, $0x20, v0;
	v10 =	vmin.u32 v63, $0xFFFFFF;
	v16 =	vmin.u32 v16, $0xFFFFFF;
	[tilespmem:s12+$0x8080] =	vst v7  }
0x165: {  	v9 =	vmin.u32 v22, $0xFFFFFF;
	v7 =	vand.u32 $0x1F, v14;
	v8 =	vor.u32 v15, v8;
	[tilespmem:s12+$0x8090] =	vst v12  }
0x166: {  	v15 =	vsel vm13, $0x20, v0;
	v12 =	vand.u32 $0x1F, v10;
	v7 =	vor.u32 v13, v7;
	[tilespmem:s12+$0x80A0] =	vst v8  }
0x167: {  	v8 =	vand.u32 $0x1F, v16;
	v13 =	vsel vm14, $0x20, v0;
	v12 =	vor.u32 v15, v12;
	[tilespmem:s12+$0x80B0] =	vst v7  }
0x168: {  	v7 =	vand.u32 $0x1F, v9;
	v15 =	vsel vm15, $0x20, v0;
	v8 =	vor.u32 v13, v8;
	[tilespmem:s12+$0x80C0] =	vst v12  }
0x169: {  	[tilespmem:s12+$0x80D0] =	vst v8;
	v7 =	vor.u32 v15, v7  }
0x16a: {  	v8 =	vshrl.u32 v23, $0x5;
	[tilespmem:s12+$0x80E0] =	vst v7  }
0x16b: {  	[tilespmem:s12+$0x6080] =	vst v8;
	v7 =	vshrl.u32 v11, $0x5  }
0x16c: {  	[tilespmem:s12+$0x6090] =	vst v7;
	v7 =	vshrl.u32 v24, $0x5  }
0x16d: {  	[tilespmem:s12+$0x60A0] =	vst v7;
	v7 =	vshrl.u32 v14, $0x5  }
0x16e: {  	[tilespmem:s12+$0x60B0] =	vst v7;
	v7 =	vshrl.u32 v10, $0x5  }
0x16f: {  	[tilespmem:s12+$0x60C0] =	vst v7;
	v7 =	vshrl.u32 v16, $0x5  }
0x170: {  	[tilespmem:s12+$0x60D0] =	vst v7;
	v7 =	vshrl.u32 v9, $0x5  }
0x171: {  	s13 =	simm.s32 $0x6080;
	[tilespmem:s12+$0x60E0] =	vst v7  }
0x172: {  	[tilespmem:s19], [sflag:$0x1] =	stream.indirect.gather [spmem:s1], $0x1, s13, s21, $0xb8;
	[tilespmem:$0x16080] =	vst v63  }
0x173: {  	s12 =	simm.s32 $0x6100;
	s13 =	simm.s32 $0xA100  }
0x174: {  	[tilespmem:s13], [sflag:$0x1] =	stream.indirect.gather [spmem:s1], $0x1, s12, s21, $0xb8;
	[tilespmem:$0x16080] =	vst v63  }
0x175: {  	s12 =	simm.s32 $0x6180;
	s13 =	simm.s32 $0xA180  }
0x176: {  	[tilespmem:s13], [sflag:$0x1] =	stream.indirect.gather [spmem:s1], $0x1, s12, s21, $0xb8;
	[tilespmem:$0x16080] =	vst v63  }
0x177: {  	s12 =	simm.s32 $0x6200;
	s13 =	simm.s32 $0xA200  }
0x178: {  	[tilespmem:s13], [sflag:$0x1] =	stream.indirect.gather [spmem:s1], $0x1, s12, s21, $0xb8;
	[tilespmem:$0x16080] =	vst v63  }
0x179: {  	s12 =	simm.s32 $0x6280;
	s13 =	simm.s32 $0xA280  }
0x17a: {  	[tilespmem:s13], [sflag:$0x1] =	stream.indirect.gather [spmem:s1], $0x1, s12, s21, $0xb8;
	[tilespmem:$0x16080] =	vst v63  }
0x17b: {  	s12 =	simm.s32 $0x6300;
	s13 =	simm.s32 $0xA300  }
0x17c: {  	[tilespmem:s13], [sflag:$0x1] =	stream.indirect.gather [spmem:s1], $0x1, s12, s21, $0xb8;
	[tilespmem:$0x16080] =	vst v63  }
0x17d: {  	s12 =	simm.s32 $0x6380;
	s13 =	simm.s32 $0xA380  }
0x17e: {  	[tilespmem:s13], [sflag:$0x1] =	stream.indirect.gather [spmem:s1], $0x1, s12, s21, $0xb8;
	[tilespmem:$0x16080] =	vst v63  }
0x17f: {  	s12 =	simm.s32 $0x6400;
	s13 =	simm.s32 $0xA400  }
0x180: {  	[tilespmem:s13], [sflag:$0x1] =	stream.indirect.gather [spmem:s1], $0x1, s12, s21, $0xb8;
	[tilespmem:$0x16080] =	vst v63  }
0x181: {  	s12 =	simm.s32 $0x6480;
	s13 =	simm.s32 $0xA480  }
0x182: {  	[tilespmem:s13], [sflag:$0x1] =	stream.indirect.gather [spmem:s1], $0x1, s12, s21, $0xb8;
	[tilespmem:$0x16080] =	vst v63  }
0x183: {  	s12 =	simm.s32 $0x6500;
	s13 =	simm.s32 $0xA500  }
0x184: {  	[tilespmem:s13], [sflag:$0x1] =	stream.indirect.gather [spmem:s1], $0x1, s12, s21, $0xb8;
	[tilespmem:$0x16080] =	vst v63  }
0x185: {  	s12 =	simm.s32 $0x6580;
	s13 =	simm.s32 $0xA580  }
0x186: {  	[tilespmem:s13], [sflag:$0x1] =	stream.indirect.gather [spmem:s1], $0x1, s12, s21, $0xb8;
	[tilespmem:$0x16080] =	vst v63  }
0x187: {  	s12 =	simm.s32 $0x6600;
	s13 =	simm.s32 $0xA600  }
0x188: {  	[tilespmem:s13], [sflag:$0x1] =	stream.indirect.gather [spmem:s1], $0x1, s12, s21, $0xb8;
	[tilespmem:$0x16080] =	vst v63  }
0x189: {  	s12 =	simm.s32 $0x6680;
	s13 =	simm.s32 $0xA680  }
0x18a: {  	[tilespmem:s13], [sflag:$0x1] =	stream.indirect.gather [spmem:s1], $0x1, s12, s21, $0xb8;
	[tilespmem:$0x16080] =	vst v63  }
0x18b: {  	s12 =	simm.s32 $0x6700;
	s13 =	simm.s32 $0xA700  }
0x18c: {  	[tilespmem:s13], [sflag:$0x1] =	stream.indirect.gather [spmem:s1], $0x1, s12, s21, $0xb8;
	[tilespmem:$0x16080] =	vst v63  }
0x18d: {  	s12 =	simm.s32 $0x6780;
	s13 =	simm.s32 $0xA780  }
0x18e: {  	[tilespmem:s13], [sflag:$0x1] =	stream.indirect.gather [spmem:s1], $0x1, s12, s21, $0xb8;
	[tilespmem:$0x16080] =	vst v63  }
0x18f: {  	s12 =	simm.s32 $0x6800;
	s13 =	simm.s32 $0xA800  }
0x190: {  	[tilespmem:s13], [sflag:$0x1] =	stream.indirect.gather [spmem:s1], $0x1, s12, s21, $0xb8;
	[tilespmem:$0x16080] =	vst v63  }
0x191: {  	s12 =	simm.s32 $0x6880;
	s13 =	simm.s32 $0xA880  }
0x192: {  	[tilespmem:s13], [sflag:$0x1] =	stream.indirect.gather [spmem:s1], $0x1, s12, s21, $0xb8;
	[tilespmem:$0x16080] =	vst v63  }
0x193: {  	s12 =	simm.s32 $0x6900;
	s13 =	simm.s32 $0xA900  }
0x194: {  	[tilespmem:s13], [sflag:$0x1] =	stream.indirect.gather [spmem:s1], $0x1, s12, s21, $0xb8;
	[tilespmem:$0x16080] =	vst v63  }
0x195: {  	s12 =	simm.s32 $0x6980;
	s13 =	simm.s32 $0xA980  }
0x196: {  	[tilespmem:s13], [sflag:$0x1] =	stream.indirect.gather [spmem:s1], $0x1, s12, s21, $0xb8;
	[tilespmem:$0x16080] =	vst v63  }
0x197: {  	s12 =	simm.s32 $0x6A00;
	s13 =	simm.s32 $0xAA00  }
0x198: {  	[tilespmem:s13], [sflag:$0x1] =	stream.indirect.gather [spmem:s1], $0x1, s12, s21, $0xb8;
	[tilespmem:$0x16080] =	vst v63  }
0x199: {  	s12 =	simm.s32 $0x6A80;
	s13 =	simm.s32 $0xAA80  }
0x19a: {  	[tilespmem:s13], [sflag:$0x1] =	stream.indirect.gather [spmem:s1], $0x1, s12, s21, $0xb8;
	[tilespmem:$0x16080] =	vst v63  }
0x19b: {  	s12 =	simm.s32 $0x6B00;
	s13 =	simm.s32 $0xAB00  }
0x19c: {  	[tilespmem:s13], [sflag:$0x1] =	stream.indirect.gather [spmem:s1], $0x1, s12, s21, $0xb8;
	[tilespmem:$0x16080] =	vst v63  }
0x19d: {  	s12 =	simm.s32 $0x6B80;
	s13 =	simm.s32 $0xAB80  }
0x19e: {  	[tilespmem:s13], [sflag:$0x1] =	stream.indirect.gather [spmem:s1], $0x1, s12, s21, $0xb8;
	[tilespmem:$0x16080] =	vst v63  }
0x19f: {  	s12 =	simm.s32 $0x6C00;
	s13 =	simm.s32 $0xAC00  }
0x1a0: {  	[tilespmem:s13], [sflag:$0x1] =	stream.indirect.gather [spmem:s1], $0x1, s12, s21, $0xb8;
	[tilespmem:$0x16080] =	vst v63  }
0x1a1: {  	s12 =	simm.s32 $0x6C80;
	s13 =	simm.s32 $0xAC80  }
0x1a2: {  	[tilespmem:s13], [sflag:$0x1] =	stream.indirect.gather [spmem:s1], $0x1, s12, s21, $0xb8;
	[tilespmem:$0x16080] =	vst v63  }
0x1a3: {  	s12 =	simm.s32 $0x6D00;
	s13 =	simm.s32 $0xAD00  }
0x1a4: {  	[tilespmem:s13], [sflag:$0x1] =	stream.indirect.gather [spmem:s1], $0x1, s12, s21, $0xb8;
	[tilespmem:$0x16080] =	vst v63  }
0x1a5: {  	s12 =	simm.s32 $0x6D80;
	s13 =	simm.s32 $0xAD80  }
0x1a6: {  	[tilespmem:s13], [sflag:$0x1] =	stream.indirect.gather [spmem:s1], $0x1, s12, s21, $0xb8;
	[tilespmem:$0x16080] =	vst v63  }
0x1a7: {  	s12 =	simm.s32 $0x6E00;
	s13 =	simm.s32 $0xAE00  }
0x1a8: {  	[tilespmem:s13], [sflag:$0x1] =	stream.indirect.gather [spmem:s1], $0x1, s12, s21, $0xb8;
	[tilespmem:$0x16080] =	vst v63  }
0x1a9: {  	s12 =	simm.s32 $0x6E80;
	s13 =	simm.s32 $0xAE80  }
0x1aa: {  	[tilespmem:s13], [sflag:$0x1] =	stream.indirect.gather [spmem:s1], $0x1, s12, s21, $0xb8;
	[tilespmem:$0x16080] =	vst v63  }
0x1ab: {  	s12 =	simm.s32 $0x6F00;
	s13 =	simm.s32 $0xAF00  }
0x1ac: {  	[tilespmem:s13], [sflag:$0x1] =	stream.indirect.gather [spmem:s1], $0x1, s12, s21, $0xb8;
	[tilespmem:$0x16080] =	vst v63  }
0x1ad: {  	s12 =	simm.s32 $0x6F80;
	s13 =	simm.s32 $0xAF80  }
0x1ae: {  	[tilespmem:s13], [sflag:$0x1] =	stream.indirect.gather [spmem:s1], $0x1, s12, s21, $0xb8;
	[tilespmem:$0x16080] =	vst v63  }
0x1af: {  	s12 =	simm.s32 $0x7000;
	s13 =	simm.s32 $0xB000  }
0x1b0: {  	[tilespmem:s13], [sflag:$0x1] =	stream.indirect.gather [spmem:s1], $0x1, s12, s21, $0xb8;
	[tilespmem:$0x16080] =	vst v63  }
0x1b1: {  	s12 =	simm.s32 $0x7080;
	s13 =	simm.s32 $0xB080  }
0x1b2: {  	[tilespmem:s13], [sflag:$0x1] =	stream.indirect.gather [spmem:s1], $0x1, s12, s21, $0xb8;
	[tilespmem:$0x16080] =	vst v63  }
0x1b3: {  	s12 =	simm.s32 $0x7100;
	s13 =	simm.s32 $0xB100  }
0x1b4: {  	[tilespmem:s13], [sflag:$0x1] =	stream.indirect.gather [spmem:s1], $0x1, s12, s21, $0xb8;
	[tilespmem:$0x16080] =	vst v63  }
0x1b5: {  	s12 =	simm.s32 $0x7180;
	s13 =	simm.s32 $0xB180  }
0x1b6: {  	[tilespmem:s13], [sflag:$0x1] =	stream.indirect.gather [spmem:s1], $0x1, s12, s21, $0xb8;
	[tilespmem:$0x16080] =	vst v63  }
0x1b7: {  	s12 =	simm.s32 $0x7200;
	s13 =	simm.s32 $0xB200  }
0x1b8: {  	[tilespmem:s13], [sflag:$0x1] =	stream.indirect.gather [spmem:s1], $0x1, s12, s21, $0xb8;
	[tilespmem:$0x16080] =	vst v63  }
0x1b9: {  	s12 =	simm.s32 $0x7280;
	s13 =	simm.s32 $0xB280  }
0x1ba: {  	[tilespmem:s13], [sflag:$0x1] =	stream.indirect.gather [spmem:s1], $0x1, s12, s21, $0xb8;
	[tilespmem:$0x16080] =	vst v63  }
0x1bb: {  	s12 =	simm.s32 $0x7300;
	s13 =	simm.s32 $0xB300  }
0x1bc: {  	[tilespmem:s13], [sflag:$0x1] =	stream.indirect.gather [spmem:s1], $0x1, s12, s21, $0xb8;
	[tilespmem:$0x16080] =	vst v63  }
0x1bd: {  	s12 =	simm.s32 $0x7380;
	s13 =	simm.s32 $0xB380  }
0x1be: {  	[tilespmem:s13], [sflag:$0x1] =	stream.indirect.gather [spmem:s1], $0x1, s12, s21, $0xb8;
	[tilespmem:$0x16080] =	vst v63  }
0x1bf: {  	s12 =	simm.s32 $0x7400;
	s13 =	simm.s32 $0xB400  }
0x1c0: {  	[tilespmem:s13], [sflag:$0x1] =	stream.indirect.gather [spmem:s1], $0x1, s12, s21, $0xb8;
	[tilespmem:$0x16080] =	vst v63  }
0x1c1: {  	s12 =	simm.s32 $0x7480;
	s13 =	simm.s32 $0xB480  }
0x1c2: {  	[tilespmem:s13], [sflag:$0x1] =	stream.indirect.gather [spmem:s1], $0x1, s12, s21, $0xb8;
	[tilespmem:$0x16080] =	vst v63  }
0x1c3: {  	s12 =	simm.s32 $0x7500;
	s13 =	simm.s32 $0xB500  }
0x1c4: {  	[tilespmem:s13], [sflag:$0x1] =	stream.indirect.gather [spmem:s1], $0x1, s12, s21, $0xb8;
	[tilespmem:$0x16080] =	vst v63  }
0x1c5: {  	s12 =	simm.s32 $0x7580;
	s13 =	simm.s32 $0xB580  }
0x1c6: {  	[tilespmem:s13], [sflag:$0x1] =	stream.indirect.gather [spmem:s1], $0x1, s12, s21, $0xb8;
	[tilespmem:$0x16080] =	vst v63  }
0x1c7: {  	s12 =	simm.s32 $0x7600;
	s13 =	simm.s32 $0xB600  }
0x1c8: {  	[tilespmem:s13], [sflag:$0x1] =	stream.indirect.gather [spmem:s1], $0x1, s12, s21, $0xb8;
	[tilespmem:$0x16080] =	vst v63  }
0x1c9: {  	s12 =	simm.s32 $0x7680;
	s13 =	simm.s32 $0xB680  }
0x1ca: {  	[tilespmem:s13], [sflag:$0x1] =	stream.indirect.gather [spmem:s1], $0x1, s12, s21, $0xb8;
	[tilespmem:$0x16080] =	vst v63  }
0x1cb: {  	s12 =	simm.s32 $0x7700;
	s13 =	simm.s32 $0xB700  }
0x1cc: {  	[tilespmem:s13], [sflag:$0x1] =	stream.indirect.gather [spmem:s1], $0x1, s12, s21, $0xb8;
	[tilespmem:$0x16080] =	vst v63  }
0x1cd: {  	s12 =	simm.s32 $0x7780;
	s13 =	simm.s32 $0xB780  }
0x1ce: {  	[tilespmem:s13], [sflag:$0x1] =	stream.indirect.gather [spmem:s1], $0x1, s12, s21, $0xb8;
	[tilespmem:$0x16080] =	vst v63  }
0x1cf: {  	s12 =	simm.s32 $0x7800;
	s13 =	simm.s32 $0xB800  }
0x1d0: {  	[tilespmem:s13], [sflag:$0x1] =	stream.indirect.gather [spmem:s1], $0x1, s12, s21, $0xb8;
	[tilespmem:$0x16080] =	vst v63  }
0x1d1: {  	s12 =	simm.s32 $0x7880;
	s13 =	simm.s32 $0xB880  }
0x1d2: {  	[tilespmem:s13], [sflag:$0x1] =	stream.indirect.gather [spmem:s1], $0x1, s12, s21, $0xb8;
	[tilespmem:$0x16080] =	vst v63  }
0x1d3: {  	s12 =	simm.s32 $0x7900;
	s13 =	simm.s32 $0xB900  }
0x1d4: {  	[tilespmem:s13], [sflag:$0x1] =	stream.indirect.gather [spmem:s1], $0x1, s12, s21, $0xb8;
	[tilespmem:$0x16080] =	vst v63  }
0x1d5: {  	s12 =	simm.s32 $0x7980;
	s13 =	simm.s32 $0xB980  }
0x1d6: {  	[tilespmem:s13], [sflag:$0x1] =	stream.indirect.gather [spmem:s1], $0x1, s12, s21, $0xb8;
	[tilespmem:$0x16080] =	vst v63  }
0x1d7: {  	s12 =	simm.s32 $0x7A00;
	s13 =	simm.s32 $0xBA00  }
0x1d8: {  	[tilespmem:s13], [sflag:$0x1] =	stream.indirect.gather [spmem:s1], $0x1, s12, s21, $0xb8;
	[tilespmem:$0x16080] =	vst v63  }
0x1d9: {  	s12 =	simm.s32 $0x7A80;
	s13 =	simm.s32 $0xBA80  }
0x1da: {  	[tilespmem:s13], [sflag:$0x1] =	stream.indirect.gather [spmem:s1], $0x1, s12, s21, $0xb8;
	[tilespmem:$0x16080] =	vst v63  }
0x1db: {  	s12 =	simm.s32 $0x7B00;
	s13 =	simm.s32 $0xBB00  }
0x1dc: {  	[tilespmem:s13], [sflag:$0x1] =	stream.indirect.gather [spmem:s1], $0x1, s12, s21, $0xb8;
	[tilespmem:$0x16080] =	vst v63  }
0x1dd: {  	s12 =	simm.s32 $0x7B80;
	s13 =	simm.s32 $0xBB80  }
0x1de: {  	[tilespmem:s13], [sflag:$0x1] =	stream.indirect.gather [spmem:s1], $0x1, s12, s21, $0xb8;
	[tilespmem:$0x16080] =	vst v63  }
0x1df: {  	s12 =	simm.s32 $0x7C00;
	s13 =	simm.s32 $0xBC00  }
0x1e0: {  	[tilespmem:s13], [sflag:$0x1] =	stream.indirect.gather [spmem:s1], $0x1, s12, s21, $0xb8;
	[tilespmem:$0x16080] =	vst v63  }
0x1e1: {  	s12 =	simm.s32 $0x7C80;
	s13 =	simm.s32 $0xBC80  }
0x1e2: {  	[tilespmem:s13], [sflag:$0x1] =	stream.indirect.gather [spmem:s1], $0x1, s12, s21, $0xb8;
	[tilespmem:$0x16080] =	vst v63  }
0x1e3: {  	_ = 	snop  }
0x1e4: {  	[tilespmem:s15], [sflag:$0x1] =	stream.indirect.gather [spmem:s1], $0x1, s14, s21, $0xb8;
	[tilespmem:$0x16080] =	vst v63  }
0x1e5: {  	_ = 	snop  }
0x1e6: {  	[tilespmem:s17], [sflag:$0x1] =	stream.indirect.gather [spmem:s1], $0x1, s16, s21, $0xb8;
	[tilespmem:$0x16080] =	vst v63  }
0x1e7: {  	_ = 	snop  }
0x1e8: {  	[tilespmem:s22], [sflag:$0x1] =	stream.indirect.gather [spmem:s1], $0x1, s18, s21, $0xb8;
	[tilespmem:$0x16080] =	vst v63  }
0x1e9: {  	_ = 	snop  }
0x1ea: {  	[tilespmem:s25], [sflag:$0x1] =	stream.indirect.gather [spmem:s1], $0x1, s23, s21, $0xb8;
	[tilespmem:$0x16080] =	vst v63  }
0x1eb: {  	_ = 	snop  }
0x1ec: {  	[tilespmem:s28], [sflag:$0x1] =	stream.indirect.gather [spmem:s1], $0x1, s26, s21, $0xb8;
	[tilespmem:$0x16080] =	vst v63  }
0x1ed: {  	_ = 	snop  }
0x1ee: {  	[tilespmem:s30], [sflag:$0x1] =	stream.indirect.gather [spmem:s1], $0x1, s29, s21, $0xb8;
	[tilespmem:$0x16080] =	vst v63  }
0x1ef: {  	_ = 	snop  }
0x1f0: {  	[tilespmem:s0], [sflag:$0x1] =	stream.indirect.gather [spmem:s1], $0x1, s31, s21, $0xb8;
	[tilespmem:$0x16080] =	vst v63  }
0x1f1: {  	_ =	swait.ge [sflag:s24], $0x2000  }
0x1f2: {  	[sflag:s24] =	ssyncset.done $0x0  }
0x1f3: {  	s11 =	simm.s32 $0x0;
	[sflag:s24] =	ssyncadd.s32 $0xFFFFE000  }
0x1f4: {  	v7 =	vld [tilespmem:s11+$0x80F0]  }
0x1f5: {  	v8 =	vld [tilespmem:s11+$0xA0F0]  }
0x1f6: {  	v9 =	vld [tilespmem:s11+$0x8080]  }
0x1f7: {  	v10 =	vld [tilespmem:s11+$0x8090]  }
0x1f8: {  	v11 =	vld [tilespmem:s11+$0x80A0]  }
0x1f9: {  	v12 =	vld [tilespmem:s11+$0x80B0]  }
0x1fa: {  	v18 =	vld [tilespmem:s11+$0x80C0]  }
0x1fb: {  	v19 =	vld [tilespmem:s11+$0x80D0]  }
0x1fc: {  	v23 =	vld [tilespmem:s11+$0x80E0];
	v13 =	vand.u32 $0x1F, v7  }
0x1fd: {  	v24 =	vld [tilespmem:s11+$0xA080];
	v7 =	vshrl.u32 v7, $0x5;
	v25 =	vshrl.u32 v9, $0x5;
	v27 =	vand.u32 $0x1F, v10  }
0x1fe: {  	v26 =	vld [tilespmem:s11+$0xA090];
	v15 =	vshrl.u32 v10, $0x5;
	v17 =	vand.u32 $0x1F, v11;
	v8 =	vshrl.u32 v8, v13  }
0x1ff: {  	v22 =	vld [tilespmem:s11+$0xA0A0];
	v14 =	vshrl.u32 v11, $0x5;
	v16 =	vand.u32 $0x1F, v12;
	v7 =	vand.u32 v8, v7  }
0x200: {  	v21 =	vld [tilespmem:s11+$0xA0B0];
	v12 =	vshrl.u32 v12, $0x5;
	v10 =	vshrl.u32 v18, $0x5;
	v7 =	vand.u32 $0x1, v7  }
0x201: {  	v20 =	vld [tilespmem:s11+$0xA0C0];
	v11 =	vand.u32 $0x1F, v19;
	v13 =	vand.u32 $0x1F, v18;
	[tilespmem:s11+$0xC0F0] =	vst v7;
	v7 =	vand.u32 $0x1F, v9  }
0x202: {  	v18 =	vld [tilespmem:s11+$0xA0D0];
	v8 =	vshrl.u32 v19, $0x5;
	v9 =	vand.u32 $0x1F, v23;
	v19 =	vshrl.u32 v24, v7  }
0x203: {  	s12 =	simm.s32 $0x80;
	s13 =	simm.s32 $0x400;
	v7 =	vshrl.u32 v23, $0x5;
	v23 =	vshrl.u32 v26, v27;
	v24 =	vand.u32 v19, v25;
	v19 =	vld [tilespmem:s11+$0xA0E0]  }
.LBB2_5:
0x204: {  	p0 =	sne.s32 s13, $0x7E00;
	v25 =	vld [tilespmem:s12+$0x80F0];
	v24 =	vand.u32 $0x1, v24;
	v15 =	vand.u32 v23, v15;
	v17 =	vshrl.u32 v22, v17  }
0x205: {  	v22 =	vld [tilespmem:s12+$0xA0F0];
	[tilespmem:s11+$0xC080] =	vst v24;
	v15 =	vand.u32 $0x1, v15;
	v14 =	vand.u32 v17, v14;
	v16 =	vshrl.u32 v21, v16  }
0x206: {  	v17 =	vld [tilespmem:s12+$0x8080];
	[tilespmem:s11+$0xC090] =	vst v15;
	v14 =	vand.u32 $0x1, v14;
	v12 =	vand.u32 v16, v12;
	v13 =	vshrl.u32 v20, v13  }
0x207: {  	v15 =	vld [tilespmem:s12+$0x8090];
	[tilespmem:s11+$0xC0A0] =	vst v14;
	v12 =	vand.u32 $0x1, v12;
	v10 =	vand.u32 v13, v10;
	v11 =	vshrl.u32 v18, v11  }
0x208: {  	v13 =	vld [tilespmem:s12+$0x80A0];
	[tilespmem:s11+$0xC0B0] =	vst v12;
	v10 =	vand.u32 $0x1, v10;
	v8 =	vand.u32 v11, v8;
	v9 =	vshrl.u32 v19, v9  }
0x209: {  	v11 =	vld [tilespmem:s12+$0x80B0];
	v12 =	vand.u32 $0x1F, v25;
	[tilespmem:s11+$0xC0C0] =	vst v10;
	v8 =	vand.u32 $0x1, v8;
	v7 =	vand.u32 v9, v7  }
0x20a: {  	v9 =	vld [tilespmem:s12+$0x80C0];
	v10 =	vshrl.u32 v22, v12;
	v12 =	vshrl.u32 v25, $0x5;
	[tilespmem:s11+$0xC0D0] =	vst v8;
	v7 =	vand.u32 $0x1, v7  }
0x20b: {  	v18 =	vand.u32 $0x1F, v17;
	v19 =	vshrl.u32 v17, $0x5;
	v8 =	vld [tilespmem:s12+$0x80D0];
	v10 =	vand.u32 v10, v12;
	[tilespmem:s11+$0xC0E0] =	vst v7;
	s11 =	smov.u32 s12  }
0x20c: {  	v23 =	vand.u32 $0x1F, v15;
	v15 =	vshrl.u32 v15, $0x5;
	v7 =	vld [tilespmem:s11+$0x80E0];
	v10 =	vand.u32 $0x1, v10  }
0x20d: {  	v24 =	vld [tilespmem:s11+$0xA080];
	v17 =	vand.u32 $0x1F, v13;
	v14 =	vshrl.u32 v13, $0x5;
	[tilespmem:s11+$0xC0F0] =	vst v10  }
0x20e: {  	v25 =	vld [tilespmem:s11+$0xA090];
	v16 =	vand.u32 $0x1F, v11;
	v12 =	vshrl.u32 v11, $0x5  }
.Ltmp1:
0x20f: {  	v22 =	vld [tilespmem:s11+$0xA0A0];
	v13 =	vand.u32 $0x1F, v9;
	v10 =	vshrl.u32 v9, $0x5;
	(pc) =	sbr.rel @p0 .LBB2_5-.Ltmp1, $4  }
0x210: {  	v21 =	vld [tilespmem:s11+$0xA0B0];
	v11 =	vand.u32 $0x1F, v8;
	v8 =	vshrl.u32 v8, $0x5  }
0x211: {  	v20 =	vld [tilespmem:s11+$0xA0C0];
	v9 =	vand.u32 $0x1F, v7;
	v7 =	vshrl.u32 v7, $0x5  }
0x212: {  	v24 =	vshrl.u32 v24, v18;
	v18 =	vld [tilespmem:s11+$0xA0D0]  }
0x213: {  	s12 =	sshra.s32 s13, $0x2;
	s13 =	sadd.s32 $0x200, s13;
	v24 =	vand.u32 v24, v19;
	v23 =	vshrl.u32 v25, v23;
	v19 =	vld [tilespmem:s11+$0xA0E0]  }
0x214: {  	v25 =	vld [tilespmem:s12+$0x80F0];
	v24 =	vand.u32 $0x1, v24;
	v15 =	vand.u32 v23, v15;
	v17 =	vshrl.u32 v22, v17  }
0x215: {  	v26 =	vld [tilespmem:s12+$0xA0F0];
	[tilespmem:s11+$0xC080] =	vst v24;
	v15 =	vand.u32 $0x1, v15;
	v14 =	vand.u32 v17, v14;
	v41 =	vshrl.u32 v21, v16  }
0x216: {  	v40 =	vld [tilespmem:s12+$0x8080];
	[tilespmem:s11+$0xC090] =	vst v15;
	v14 =	vand.u32 $0x1, v14;
	v12 =	vand.u32 v41, v12;
	v13 =	vshrl.u32 v20, v13  }
0x217: {  	v42 =	vld [tilespmem:s12+$0x8090];
	[tilespmem:s11+$0xC0A0] =	vst v14;
	v12 =	vand.u32 $0x1, v12;
	v10 =	vand.u32 v13, v10;
	v11 =	vshrl.u32 v18, v11  }
0x218: {  	v14 =	vld [tilespmem:s12+$0x80A0];
	[tilespmem:s11+$0xC0B0] =	vst v12;
	v10 =	vand.u32 $0x1, v10;
	v8 =	vand.u32 v11, v8;
	v9 =	vshrl.u32 v19, v9  }
0x219: {  	v12 =	vld [tilespmem:s12+$0x80B0];
	[tilespmem:s11+$0xC0C0] =	vst v10;
	v8 =	vand.u32 $0x1, v8;
	v7 =	vand.u32 v9, v7  }
0x21a: {  	v10 =	vld [tilespmem:s12+$0x80C0];
	[tilespmem:s11+$0xC0D0] =	vst v8;
	v8 =	vand.u32 $0x1F, v25;
	v7 =	vand.u32 $0x1, v7  }
0x21b: {  	v44 =	vshrl.u32 v25, $0x5;
	v43 =	vld [tilespmem:s12+$0x80D0];
	v8 =	vshrl.u32 v26, v8;
	[tilespmem:s11+$0xC0E0] =	vst v7  }
0x21c: {  	v7 =	vand.u32 v8, v44;
	v8 =	vld [tilespmem:s12+$0x80E0]  }
0x21d: {  	v45 =	vld [tilespmem:s12+$0xA080]  }
0x21e: {  	v46 =	vshrl.u32 v40, $0x5;
	v47 =	vld [tilespmem:s12+$0xA090];
	v48 =	vand.u32 $0x1F, v42;
	v16 =	vshrl.u32 v42, $0x5  }
0x21f: {  	v50 =	vld [tilespmem:s12+$0xA0A0];
	v7 =	vand.u32 $0x1, v7;
	v49 =	vand.u32 $0x1F, v14;
	v14 =	vshrl.u32 v14, $0x5  }
0x220: {  	v52 =	vld [tilespmem:s12+$0xA0B0];
	[tilespmem:s12+$0xC0F0] =	vst v7;
	v7 =	vand.u32 $0x1F, v40;
	v51 =	vand.u32 $0x1F, v12;
	v12 =	vshrl.u32 v12, $0x5  }
0x221: {  	v24 =	vld [tilespmem:s12+$0xA0C0];
	v53 =	vand.u32 $0x1F, v10;
	v10 =	vshrl.u32 v10, $0x5;
	v54 =	vand.u32 $0x1F, v43  }
0x222: {  	v56 =	vld [tilespmem:s12+$0xA0D0];
	v9 =	vshrl.u32 v43, $0x5;
	v55 =	vand.u32 $0x1F, v8;
	v7 =	vshrl.u32 v45, v7  }
0x223: {  	v58 =	vld [tilespmem:s12+$0xA0E0];
	v8 =	vshrl.u32 v8, $0x5;
	v57 =	vshrl.u32 v47, v48;
	v7 =	vand.u32 v7, v46  }
0x224: {  	v59 =	vshrl.u32 v50, v49;
	v13 =	vand.u32 v57, v16;
	v7 =	vand.u32 $0x1, v7  }
0x225: {  	v61 =	vshrl.u32 v52, v51;
	v60 =	vand.u32 v59, v14;
	[tilespmem:s12+$0xC080] =	vst v7;
	v7 =	vand.u32 $0x1, v13  }
0x226: {  	v62 =	vshrl.u32 v24, v53;
	v12 =	vand.u32 v61, v12;
	[tilespmem:s12+$0xC090] =	vst v7;
	v7 =	vand.u32 $0x1, v60  }
0x227: {  	v11 =	vshrl.u32 v56, v54;
	v10 =	vand.u32 v62, v10;
	[tilespmem:s12+$0xC0A0] =	vst v7;
	v7 =	vand.u32 $0x1, v12  }
0x228: {  	v9 =	vand.u32 v11, v9;
	v63 =	vshrl.u32 v58, v55;
	[tilespmem:s12+$0xC0B0] =	vst v7;
	v7 =	vand.u32 $0x1, v10  }
0x229: {  	s7 =	sadd.s32 $0x1, s7;
	v8 =	vand.u32 v63, v8;
	[tilespmem:s12+$0xC0C0] =	vst v7;
	v7 =	vand.u32 $0x1, v9  }
0x22a: {  	p0 =	sne.s32 s7, $0x8;
	[tilespmem:s12+$0xC0D0] =	vst v7;
	v7 =	vand.u32 $0x1, v8  }
.Ltmp2:
0x22b: {  	s10 =	sadd.s32 s8, s10;
	[tilespmem:s12+$0xC0E0] =	vst v7;
	(pc) =	sbr.rel @p0 .LBB2_2-.Ltmp2, $4  }
0x22c: {  	[hbm4b:s10+s2] =	stream.linear.scatter [tilespmem:s5], [sflag:$0x2], $0x2000, $0x38;
	[tilespmem:$0x16080] =	vst v63  }
0x22d: {  	_ =	swait.ge [sflag:s20], $0x2000  }
0x22e: {  	[sflag:s20] =	ssyncset.done $0x0  }
0x22f: {  	[sflag:s20] =	ssyncadd.s32 $0xFFFFE000  }
0x230: {  	s10 =	rddreg [dreg:$0xe]  }
0x231: {  	s7 =	rddreg [dreg:$0x5];
	s10 =	sadd.s32 $0x1, s10  }
0x232: {  	p0 =	sne.s32 s10, s7  }
.Ltmp3:
0x233: {  	_ = 	snop;
	(pc) =	sbr.rel @p0 .LBB2_1-.Ltmp3, $1  }
0x234: {  	_ =	sdelay $0x3  }
0x235: {  	_ =	sfence.sel $0x180000  }
0x236: {  	[bflag:$0x0] =	sbarrier.arrive $0xFFFF  }
0x237: {  	_ =	strace $0x90000047  }
0x238: {  	s0 =	stileid.u32;
	[bflag:$0x2] =	sbarrier.arrive $0xFFFF  }
0x239: {  	p0 =	sne.s32 s0, $0x0;
	s0 =	rddreg [dreg:$0x3]  }
0x23a: {  	s0 =	sadd.s32 @!p0 $0x100000, s0  }
0x23b: {  	[sflag:s0] =	ssyncadd.tile.s32 @!p0 $0x1;
	_ =	shalt  }
.Lfunc_end2:
_tile_overlayer_lowered:
.L_overlay_start_2:
0x23c: {  	(tag) =	ssettag $0x2  }
0x23d: {  	s0 =	rddreg [dreg:$0x0];
	s2 =	stileid.u32  }
0x23e: {  	s1 =	rddreg [dreg:$0x1];
	p0 =	sne.s32 s2, $0x0  }
0x23f: {  	s3 =	rddreg [dreg:$0x2];
	[bflag:$0x3] =	sbarrier.arrive $0xFFFF;
	s2 =	simm.s32 @!p0 $0x1C02  }
0x240: {  	[timem:s3], [sflag:s2] =	dma.local @!p0 [hbm:s0], s1  }
0x241: {  	s0 =	simm.s32 @!p0 $0x2  }
0x242: {  	_ =	swait.ge @!p0 [sflag:s0], s1  }
0x243: {  	s1 =	ssub.s32 @!p0 $0x0, s1;
	[sflag:s0] =	ssyncset.done @!p0 $0x0  }
0x244: {  	[sflag:s0] =	ssyncadd.s32 @!p0 s1  }
0x245: {  	[bflag:$0x3] =	sbarrier.arrive $0xFFFF  }
0x246: {  	_ =	shalt  }

</sc_bundles>
